<compile_context>
chip_gen: v7x
topology: tpu7x:2x2x1
jax: 0.10.2.dev20260603
libtpu: 0.0.44.dev20260713+nightly
codegen_flags: <defaults>
</compile_context>

<pallas_src>
import functools

import jax
import jax.numpy as jnp
from jax import lax
from jax.experimental import pallas as pl
from jax.experimental.pallas import tpu as pltpu
from jax.experimental.pallas import tpu_sc as plsc

_NC = 2
_NS = 16
_K = 100


def _sc_mesh():
    return plsc.VectorSubcoreMesh(
        core_axis_name="c", subcore_axis_name="s",
        num_cores=_NC, num_subcores=_NS)


def _make_degree_kernel(N, E):
    nworkers = _NC * _NS
    eper = E // nworkers
    nch = eper // _K
    rows = N // _NS

    @functools.partial(
        pl.kernel,
        out_type=jax.ShapeDtypeStruct((_NC, N, 16), jnp.float32),
        mesh=_sc_mesh(),
        compiler_params=pltpu.CompilerParams(use_tc_tiling_on_sc=False),
        scratch_types=[
            pltpu.VMEM((nch, _K), jnp.int32),
            pltpu.VMEM((_K, 16), jnp.float32),
            pltpu.VMEM_SHARED((N, 16), jnp.float32),
            pltpu.SemaphoreType.DMA,
            pltpu.SemaphoreType.DMA,
        ],
    )
    def deg_kernel(dst_hbm, ones_hbm, zeros_hbm, out_hbm, dst_v, ones_v,
                   acc_sh, sem_a, sem_b):
        c = lax.axis_index("c")
        s = lax.axis_index("s")
        wid = c * _NS + s
        pltpu.sync_copy(dst_hbm.at[wid], dst_v)
        pltpu.sync_copy(ones_hbm, ones_v)
        pltpu.sync_copy(zeros_hbm.at[pl.ds(s * rows, rows)],
                        acc_sh.at[pl.ds(s * rows, rows)])
        plsc.subcore_barrier()

        def scatter(i, sem):
            pltpu.async_copy(ones_v, acc_sh.at[dst_v.at[i]], sem, add=True)

        def swait(i, sem):
            pltpu.make_async_copy(ones_v, acc_sh.at[dst_v.at[i]], sem).wait()

        scatter(0, sem_a)

        def body(j, carry):
            i0 = 2 * j
            i1 = 2 * j + 1
            scatter(i1, sem_b)
            swait(i0, sem_a)

            @pl.when(i0 + 2 < nch)
            def _():
                scatter(i0 + 2, sem_a)

            swait(i1, sem_b)
            return carry

        lax.fori_loop(0, nch // 2, body, 0)
        plsc.subcore_barrier()
        pltpu.sync_copy(acc_sh.at[pl.ds(s * rows, rows)],
                        out_hbm.at[c].at[pl.ds(s * rows, rows)])

    return deg_kernel


def _make_scatter_kernel(N, E, F):
    nworkers = _NC * _NS
    eper = E // nworkers
    nch = eper // _K
    rows = N // _NS

    @functools.partial(
        pl.kernel,
        out_type=jax.ShapeDtypeStruct((_NC, N, F), jnp.float32),
        mesh=_sc_mesh(),
        compiler_params=pltpu.CompilerParams(use_tc_tiling_on_sc=False),
        scratch_types=[
            pltpu.VMEM((nch, _K), jnp.int32),
            pltpu.VMEM((nch, _K), jnp.int32),
            pltpu.VMEM((_K, F), jnp.float32),
            pltpu.VMEM((_K, F), jnp.float32),
            pltpu.VMEM_SHARED((N, F), jnp.float32),
            pltpu.SemaphoreType.DMA,
            pltpu.SemaphoreType.DMA,
        ],
    )
    def scatter_kernel(y_hbm, src_hbm, dst_hbm, zeros_hbm, out_hbm,
                       src_v, dst_v, rows_a, rows_b, acc_sh, sem_a, sem_b):
        c = lax.axis_index("c")
        s = lax.axis_index("s")
        wid = c * _NS + s
        pltpu.sync_copy(src_hbm.at[wid], src_v)
        pltpu.sync_copy(dst_hbm.at[wid], dst_v)

        def gather(i, buf, sem):
            return pltpu.async_copy(y_hbm.at[src_v.at[i]], buf, sem)

        def gwait(i, buf, sem):
            pltpu.make_async_copy(y_hbm.at[src_v.at[i]], buf, sem).wait()

        def scatter(i, buf):
            pltpu.sync_copy(buf, acc_sh.at[dst_v.at[i]], add=True)

        gather(0, rows_a, sem_a)
        pltpu.sync_copy(zeros_hbm.at[pl.ds(s * rows, rows)],
                        acc_sh.at[pl.ds(s * rows, rows)])
        plsc.subcore_barrier()


        def body(j, carry):
            i0 = 2 * j
            i1 = 2 * j + 1
            gather(i1, rows_b, sem_b)
            gwait(i0, rows_a, sem_a)
            scatter(i0, rows_a)

            @pl.when(i0 + 2 < nch)
            def _():
                gather(i0 + 2, rows_a, sem_a)

            gwait(i1, rows_b, sem_b)
            scatter(i1, rows_b)
            return carry

        lax.fori_loop(0, nch // 2, body, 0)
        plsc.subcore_barrier()
        pltpu.sync_copy(acc_sh.at[pl.ds(s * rows, rows)],
                        out_hbm.at[c].at[pl.ds(s * rows, rows)])

    return scatter_kernel


def _tc_first(x, W, deg_parts):
    N = x.shape[0]
    H = W.shape[1]

    def body(x_ref, w_ref, dp_ref, y_ref, dinv_ref):
        deg = dp_ref[0, :, 0:1] + dp_ref[1, :, 0:1] + 1.0
        dinv = lax.rsqrt(deg)
        xw = jnp.dot(x_ref[...], w_ref[...], preferred_element_type=jnp.float32)
        y_ref[...] = dinv * xw
        dinv_ref[...] = dinv

    return pl.pallas_call(
        body,
        out_shape=[jax.ShapeDtypeStruct((N, H), jnp.float32),
                   jax.ShapeDtypeStruct((N, 1), jnp.float32)],
    )(x, W, deg_parts)


def _tc_mid(zp, y, dinv, b, W):
    N = y.shape[0]
    H2 = W.shape[1]

    def body(zp_ref, y_ref, dinv_ref, b_ref, w_ref, out_ref):
        z = zp_ref[0] + zp_ref[1] + y_ref[...]
        h = jnp.maximum(dinv_ref[...] * z + b_ref[...], 0.0)
        out_ref[...] = dinv_ref[...] * jnp.dot(
            h, w_ref[...], preferred_element_type=jnp.float32)

    return pl.pallas_call(
        body,
        out_shape=jax.ShapeDtypeStruct((N, H2), jnp.float32),
    )(zp, y, dinv, b, W)


def _tc_last(zp, y, dinv, b):
    N, F = y.shape

    def body(zp_ref, y_ref, dinv_ref, b_ref, out_ref):
        z = zp_ref[0] + zp_ref[1] + y_ref[...]
        out_ref[...] = dinv_ref[...] * z + b_ref[...]

    return pl.pallas_call(
        body,
        out_shape=jax.ShapeDtypeStruct((N, F), jnp.float32),
    )(zp, y, dinv, b)


def kernel(x, edge_index, W1, b1, W2, b2, W3, b3):
    N = x.shape[0]
    E = edge_index.shape[1]
    H = W1.shape[1]
    C = W3.shape[1]
    F3 = 48

    nworkers = _NC * _NS
    nch = E // nworkers // _K
    src = edge_index[0].reshape(nworkers, nch, _K)
    dst = edge_index[1].reshape(nworkers, nch, _K)
    W3p = jnp.pad(W3, ((0, 0), (0, F3 - C)))
    b3p = jnp.pad(b3, (0, F3 - C))

    ones16 = jnp.ones((_K, 16), jnp.float32)
    zeros16 = jnp.zeros((N, 16), jnp.float32)
    zerosH = jnp.zeros((N, H), jnp.float32)
    zerosF3 = jnp.zeros((N, F3), jnp.float32)

    deg_parts = _make_degree_kernel(N, E)(dst, ones16, zeros16)
    y1, dinv = _tc_first(x, W1, deg_parts)
    zp1 = _make_scatter_kernel(N, E, H)(y1, src, dst, zerosH)
    y2 = _tc_mid(zp1, y1, dinv, b1.reshape(1, H), W2)
    zp2 = _make_scatter_kernel(N, E, H)(y2, src, dst, zerosH)
    y3 = _tc_mid(zp2, y2, dinv, b2.reshape(1, H), W3p)
    zp3 = _make_scatter_kernel(N, E, F3)(y3, src, dst, zerosF3)
    out = _tc_last(zp3, y3, dinv, b3p.reshape(1, F3))
    return out[:, :C]

# --- scband reference (transcript-rebuilt; emitter-appended) ---
"""Pipeline reference for scband-node-gcn-46170898432060 (READ-ONLY COPY).

The authoritative reference and input builder live on the scoring server;
editing this copy changes nothing except your own understanding.
"""

import jax, jax.numpy as jnp
import numpy as np

N = 10000
E = 320000
D = 128
H = 128
C = 40


def setup_inputs(seed: int = 0) -> dict:
    key = jax.random.key(seed)
    ks = jax.random.split(key, 8)
    x = jax.random.normal(ks[0], (N, D), dtype=jnp.float32)
    edge_index = jax.random.randint(ks[1], (2, E), 0, N, dtype=jnp.int32)
    # Glorot-style init for GCNConv weights, zeros for biases (PyG default)
    def glorot(k, fan_in, fan_out):
        limit = np.sqrt(6.0 / (fan_in + fan_out))
        return jax.random.uniform(k, (fan_in, fan_out), jnp.float32, -limit, limit)
    W1 = glorot(ks[2], D, H)
    b1 = jnp.zeros((H,), jnp.float32)
    W2 = glorot(ks[3], H, H)
    b2 = jnp.zeros((H,), jnp.float32)
    W3 = glorot(ks[4], H, C)
    b3 = jnp.zeros((C,), jnp.float32)
    return {"x": x, "edge_index": edge_index, "W1": W1, "b1": b1, "W2": W2, "b2": b2, "W3": W3, "b3": b3}


def _gcn_conv(x, W, b, src, dst):
    # GCNConv with add_self_loops=True and symmetric normalization (PyG gcn_norm)
    n = x.shape[0]
    xw = x @ W
    loop = jnp.arange(n, dtype=src.dtype)
    s = jnp.concatenate([src, loop])
    d = jnp.concatenate([dst, loop])
    deg = jnp.zeros((n,), xw.dtype).at[d].add(1.0)
    dinv = jnp.where(deg > 0, jax.lax.rsqrt(jnp.maximum(deg, 1e-12)), 0.0)
    norm = dinv[s] * dinv[d]
    msgs = norm[:, None] * jnp.take(xw, s, axis=0)
    out = jnp.zeros((n, W.shape[1]), xw.dtype).at[d].add(msgs)
    return out + b


def reference(x, edge_index, W1, b1, W2, b2, W3, b3):
    src = edge_index[0]
    dst = edge_index[1]
    # layer 1 + relu (dropout p=0.0 is identity)
    h = jax.nn.relu(_gcn_conv(x, W1, b1, src, dst))
    # layer 2 + relu
    h = jax.nn.relu(_gcn_conv(h, W2, b2, src, dst))
    # final layer, no activation
    out = _gcn_conv(h, W3, b3, src, dst)
    return out

if __name__ == "__main__":
    import jax
    _d = setup_inputs()
    print(jax.jit(kernel)(*tuple(_d.values())))

</pallas_src>

<mosaic_0001>
#map = affine_map<(d0, d1) -> (0, 0, 0)>
#map1 = affine_map<(d0, d1) -> (0, 0)>
module attributes {stable_mosaic.version = 14 : i64} {
  func.func @deg_kernel(%arg0: i32, %arg1: i32, %arg2: memref<32x100x100xi32, #tpu.memory_space<hbm>>, %arg3: memref<100x16xf32, #tpu.memory_space<hbm>>, %arg4: memref<10000x16xf32, #tpu.memory_space<hbm>>, %arg5: memref<2x10000x16xf32, #tpu.memory_space<hbm>>, %arg6: memref<100x100xi32, #tpu.memory_space<vmem>>, %arg7: memref<100x16xf32, #tpu.memory_space<vmem>>, %arg8: memref<10000x16xf32, #tpu.memory_space<vmem_shared>>, %arg9: memref<!tpu.dma_semaphore, #tpu.memory_space<semaphore_mem>>, %arg10: memref<!tpu.dma_semaphore, #tpu.memory_space<semaphore_mem>>) attributes {dimension_semantics = [#tpu.dimension_semantics<core_parallel>, #tpu.dimension_semantics<subcore_parallel>], iteration_bounds = array<i64: 2, 16>, scalar_prefetch = 0 : i64, scratch_operands = 5 : i64, tpu.core_type = #tpu.core_type<sc_vector_subcore>, window_params = [{transform_indices = #map}, {transform_indices = #map1}, {transform_indices = #map1}, {transform_indices = #map}]} {
    %mul3A = arith.constant 16 : i32
    %mul3A_0 = arith.muli %arg0, %mul3A : i32
    %add3A = arith.addi %mul3A_0, %arg1 : i32
    "tpu.region"() ({
      %run_scoped3A = tpu.sem_alloc : memref<!tpu.dma_semaphore, #tpu.memory_space<semaphore_mem>>
      %dma_start3A_21 = arith.constant 0 : i32
      %dma_start3A_22 = arith.constant 0 : i32
      %dma_start3A_23 = tpu.memref_slice %arg2[%add3A, %dma_start3A_21, %dma_start3A_22] : memref<32x100x100xi32, #tpu.memory_space<hbm>> -> memref<1x100x100xi32, #tpu.memory_space<hbm>>
      %dma_start3A_24 = tpu.memref_squeeze %dma_start3A_23 : memref<1x100x100xi32, #tpu.memory_space<hbm>> -> memref<100x100xi32, #tpu.memory_space<hbm>>
      %dma_start3A_25 = arith.constant 0 : i32
      %dma_start3A_26 = arith.constant 0 : i32
      %dma_start3A_27 = tpu.memref_slice %arg2[%add3A, %dma_start3A_25, %dma_start3A_26] : memref<32x100x100xi32, #tpu.memory_space<hbm>> -> memref<1x100x100xi32, #tpu.memory_space<hbm>>
      %dma_start3A_28 = tpu.memref_squeeze %dma_start3A_27 : memref<1x100x100xi32, #tpu.memory_space<hbm>> -> memref<100x100xi32, #tpu.memory_space<hbm>>
      tpu.enqueue_dma source(%dma_start3A_28 : memref<100x100xi32, #tpu.memory_space<hbm>>) target(%arg6 : memref<100x100xi32, #tpu.memory_space<vmem>>) target_semaphore(%run_scoped3A : memref<!tpu.dma_semaphore, #tpu.memory_space<semaphore_mem>>)
      %dma_wait3A = arith.constant 0 : i32
      %dma_wait3A_29 = arith.constant 0 : i32
      %dma_wait3A_30 = tpu.memref_slice %arg2[%add3A, %dma_wait3A, %dma_wait3A_29] : memref<32x100x100xi32, #tpu.memory_space<hbm>> -> memref<1x100x100xi32, #tpu.memory_space<hbm>>
      %dma_wait3A_31 = tpu.memref_squeeze %dma_wait3A_30 : memref<1x100x100xi32, #tpu.memory_space<hbm>> -> memref<100x100xi32, #tpu.memory_space<hbm>>
      %dma_wait3A_32 = arith.constant 0 : i32
      %dma_wait3A_33 = arith.constant 0 : i32
      %dma_wait3A_34 = tpu.memref_slice %arg2[%add3A, %dma_wait3A_32, %dma_wait3A_33] : memref<32x100x100xi32, #tpu.memory_space<hbm>> -> memref<1x100x100xi32, #tpu.memory_space<hbm>>
      %dma_wait3A_35 = tpu.memref_squeeze %dma_wait3A_34 : memref<1x100x100xi32, #tpu.memory_space<hbm>> -> memref<100x100xi32, #tpu.memory_space<hbm>>
      tpu.wait_dma2 semaphore(%run_scoped3A : memref<!tpu.dma_semaphore, #tpu.memory_space<semaphore_mem>>) src(%dma_wait3A_35 : memref<100x100xi32, #tpu.memory_space<hbm>>) dst(%arg6 : memref<100x100xi32, #tpu.memory_space<vmem>>)
      tpu.yield
    }) : () -> ()
    "tpu.region"() ({
      %run_scoped3A = tpu.sem_alloc : memref<!tpu.dma_semaphore, #tpu.memory_space<semaphore_mem>>
      tpu.enqueue_dma source(%arg3 : memref<100x16xf32, #tpu.memory_space<hbm>>) target(%arg7 : memref<100x16xf32, #tpu.memory_space<vmem>>) target_semaphore(%run_scoped3A : memref<!tpu.dma_semaphore, #tpu.memory_space<semaphore_mem>>)
      tpu.wait_dma2 semaphore(%run_scoped3A : memref<!tpu.dma_semaphore, #tpu.memory_space<semaphore_mem>>) src(%arg3 : memref<100x16xf32, #tpu.memory_space<hbm>>) dst(%arg7 : memref<100x16xf32, #tpu.memory_space<vmem>>)
      tpu.yield
    }) : () -> ()
    %mul3A_1 = arith.constant 625 : i32
    %mul3A_2 = arith.muli %arg1, %mul3A_1 : i32
    %mul3A_3 = arith.constant 625 : i32
    %mul3A_4 = arith.muli %arg1, %mul3A_3 : i32
    "tpu.region"() ({
      %run_scoped3A = tpu.sem_alloc : memref<!tpu.dma_semaphore, #tpu.memory_space<semaphore_mem>>
      %dma_start3A_21 = arith.constant 0 : i32
      %dma_start3A_22 = tpu.memref_slice %arg8[%mul3A_4, %dma_start3A_21] : memref<10000x16xf32, #tpu.memory_space<vmem_shared>> -> memref<625x16xf32, #tpu.memory_space<vmem_shared>>
      %dma_start3A_23 = arith.constant 0 : i32
      %dma_start3A_24 = tpu.memref_slice %arg4[%mul3A_2, %dma_start3A_23] : memref<10000x16xf32, #tpu.memory_space<hbm>> -> memref<625x16xf32, #tpu.memory_space<hbm>>
      tpu.enqueue_dma source(%dma_start3A_24 : memref<625x16xf32, #tpu.memory_space<hbm>>) target(%dma_start3A_22 : memref<625x16xf32, #tpu.memory_space<vmem_shared>>) target_semaphore(%run_scoped3A : memref<!tpu.dma_semaphore, #tpu.memory_space<semaphore_mem>>)
      %dma_wait3A = arith.constant 0 : i32
      %dma_wait3A_25 = tpu.memref_slice %arg8[%mul3A_4, %dma_wait3A] : memref<10000x16xf32, #tpu.memory_space<vmem_shared>> -> memref<625x16xf32, #tpu.memory_space<vmem_shared>>
      %dma_wait3A_26 = arith.constant 0 : i32
      %dma_wait3A_27 = tpu.memref_slice %arg4[%mul3A_2, %dma_wait3A_26] : memref<10000x16xf32, #tpu.memory_space<hbm>> -> memref<625x16xf32, #tpu.memory_space<hbm>>
      tpu.wait_dma2 semaphore(%run_scoped3A : memref<!tpu.dma_semaphore, #tpu.memory_space<semaphore_mem>>) src(%dma_wait3A_27 : memref<625x16xf32, #tpu.memory_space<hbm>>) dst(%dma_wait3A_25 : memref<625x16xf32, #tpu.memory_space<vmem_shared>>)
      tpu.yield
    }) : () -> ()
    %barrier3A = arith.constant 0 : index
    tpu.barrier barrier_id(%barrier3A)
    %dma_start3A = arith.constant 0 : i32
    %dma_start3A_5 = arith.constant 0 : i32
    %dma_start3A_6 = tpu.memref_slice %arg6[%dma_start3A, %dma_start3A_5] : memref<100x100xi32, #tpu.memory_space<vmem>> -> memref<1x100xi32, #tpu.memory_space<vmem>>
    %dma_start3A_7 = tpu.memref_squeeze %dma_start3A_6 : memref<1x100xi32, #tpu.memory_space<vmem>> -> memref<100xi32, #tpu.memory_space<vmem>>
    %dma_start3A_8 = arith.constant 0 : i32
    %dma_start3A_9 = arith.constant 0 : i32
    %dma_start3A_10 = tpu.memref_slice %arg8[%dma_start3A_8, %dma_start3A_9] : memref<10000x16xf32, #tpu.memory_space<vmem_shared>> -> memref<10000x16xf32, #tpu.memory_space<vmem_shared>>
    tpu.enqueue_indirect_dma source(%arg7 : memref<100x16xf32, #tpu.memory_space<vmem>>) target(%dma_start3A_10 : memref<10000x16xf32, #tpu.memory_space<vmem_shared>>) offsets(%dma_start3A_7 : memref<100xi32, #tpu.memory_space<vmem>>) semaphore(%arg9 : memref<!tpu.dma_semaphore, #tpu.memory_space<semaphore_mem>>) {add = true}
    %scan3A = arith.constant 0 : i32
    %scan3A_11 = arith.constant 0 : i32
    %scan3A_12 = arith.constant 50 : i32
    %scan3A_13 = arith.addi %scan3A_11, %scan3A_12 : i32
    %scan3A_14 = arith.constant 1 : i32
    scf.for %scan3A_21 = %scan3A_11 to %scan3A_13 step %scan3A_14  : i32 {
      %mul3A_22 = arith.constant 2 : i32
      %mul3A_23 = arith.muli %mul3A_22, %scan3A_21 : i32
      %mul3A_24 = arith.constant 2 : i32
      %mul3A_25 = arith.muli %mul3A_24, %scan3A_21 : i32
      %add3A_26 = arith.constant 1 : i32
      %add3A_27 = arith.addi %mul3A_25, %add3A_26 : i32
      %dma_start3A_28 = arith.constant 0 : i32
      %dma_start3A_29 = tpu.memref_slice %arg6[%add3A_27, %dma_start3A_28] : memref<100x100xi32, #tpu.memory_space<vmem>> -> memref<1x100xi32, #tpu.memory_space<vmem>>
      %dma_start3A_30 = tpu.memref_squeeze %dma_start3A_29 : memref<1x100xi32, #tpu.memory_space<vmem>> -> memref<100xi32, #tpu.memory_space<vmem>>
      %dma_start3A_31 = arith.constant 0 : i32
      %dma_start3A_32 = arith.constant 0 : i32
      %dma_start3A_33 = tpu.memref_slice %arg8[%dma_start3A_31, %dma_start3A_32] : memref<10000x16xf32, #tpu.memory_space<vmem_shared>> -> memref<10000x16xf32, #tpu.memory_space<vmem_shared>>
      tpu.enqueue_indirect_dma source(%arg7 : memref<100x16xf32, #tpu.memory_space<vmem>>) target(%dma_start3A_33 : memref<10000x16xf32, #tpu.memory_space<vmem_shared>>) offsets(%dma_start3A_30 : memref<100xi32, #tpu.memory_space<vmem>>) semaphore(%arg10 : memref<!tpu.dma_semaphore, #tpu.memory_space<semaphore_mem>>) {add = true}
      %dma_wait3A = arith.constant 0 : i32
      %dma_wait3A_34 = tpu.memref_slice %arg6[%mul3A_23, %dma_wait3A] : memref<100x100xi32, #tpu.memory_space<vmem>> -> memref<1x100xi32, #tpu.memory_space<vmem>>
      %dma_wait3A_35 = tpu.memref_squeeze %dma_wait3A_34 : memref<1x100xi32, #tpu.memory_space<vmem>> -> memref<100xi32, #tpu.memory_space<vmem>>
      %dma_wait3A_36 = arith.constant 0 : i32
      %dma_wait3A_37 = arith.constant 0 : i32
      %dma_wait3A_38 = tpu.memref_slice %arg8[%dma_wait3A_36, %dma_wait3A_37] : memref<10000x16xf32, #tpu.memory_space<vmem_shared>> -> memref<10000x16xf32, #tpu.memory_space<vmem_shared>>
      tpu.wait_indirect_dma semaphore(%arg9 : memref<!tpu.dma_semaphore, #tpu.memory_space<semaphore_mem>>) src(%arg7 : memref<100x16xf32, #tpu.memory_space<vmem>>) dst(%dma_wait3A_38 : memref<10000x16xf32, #tpu.memory_space<vmem_shared>>)
      %add3A_39 = arith.constant 2 : i32
      %add3A_40 = arith.addi %mul3A_23, %add3A_39 : i32
      %lt3A = arith.constant 100 : i32
      %lt3A_41 = arith.cmpi slt, %add3A_40, %lt3A : i32
      %convert_element_type3A = arith.extui %lt3A_41 : i1 to i32
      %cond3A = arith.constant 0 : i32
      %cond3A_42 = arith.cmpi ne, %convert_element_type3A, %cond3A : i32
      scf.if %cond3A_42 {
        %add3A_49 = arith.constant 2 : i32
        %add3A_50 = arith.addi %mul3A_23, %add3A_49 : i32
        %dma_start3A_51 = arith.constant 0 : i32
        %dma_start3A_52 = tpu.memref_slice %arg6[%add3A_50, %dma_start3A_51] : memref<100x100xi32, #tpu.memory_space<vmem>> -> memref<1x100xi32, #tpu.memory_space<vmem>>
        %dma_start3A_53 = tpu.memref_squeeze %dma_start3A_52 : memref<1x100xi32, #tpu.memory_space<vmem>> -> memref<100xi32, #tpu.memory_space<vmem>>
        %dma_start3A_54 = arith.constant 0 : i32
        %dma_start3A_55 = arith.constant 0 : i32
        %dma_start3A_56 = tpu.memref_slice %arg8[%dma_start3A_54, %dma_start3A_55] : memref<10000x16xf32, #tpu.memory_space<vmem_shared>> -> memref<10000x16xf32, #tpu.memory_space<vmem_shared>>
        tpu.enqueue_indirect_dma source(%arg7 : memref<100x16xf32, #tpu.memory_space<vmem>>) target(%dma_start3A_56 : memref<10000x16xf32, #tpu.memory_space<vmem_shared>>) offsets(%dma_start3A_53 : memref<100xi32, #tpu.memory_space<vmem>>) semaphore(%arg9 : memref<!tpu.dma_semaphore, #tpu.memory_space<semaphore_mem>>) {add = true}
      } else {
      }
      %dma_wait3A_43 = arith.constant 0 : i32
      %dma_wait3A_44 = tpu.memref_slice %arg6[%add3A_27, %dma_wait3A_43] : memref<100x100xi32, #tpu.memory_space<vmem>> -> memref<1x100xi32, #tpu.memory_space<vmem>>
      %dma_wait3A_45 = tpu.memref_squeeze %dma_wait3A_44 : memref<1x100xi32, #tpu.memory_space<vmem>> -> memref<100xi32, #tpu.memory_space<vmem>>
      %dma_wait3A_46 = arith.constant 0 : i32
      %dma_wait3A_47 = arith.constant 0 : i32
      %dma_wait3A_48 = tpu.memref_slice %arg8[%dma_wait3A_46, %dma_wait3A_47] : memref<10000x16xf32, #tpu.memory_space<vmem_shared>> -> memref<10000x16xf32, #tpu.memory_space<vmem_shared>>
      tpu.wait_indirect_dma semaphore(%arg10 : memref<!tpu.dma_semaphore, #tpu.memory_space<semaphore_mem>>) src(%arg7 : memref<100x16xf32, #tpu.memory_space<vmem>>) dst(%dma_wait3A_48 : memref<10000x16xf32, #tpu.memory_space<vmem_shared>>)
    }
    %scan3A_15 = arith.constant 50 : i32
    %barrier3A_16 = arith.constant 0 : index
    tpu.barrier barrier_id(%barrier3A_16)
    %mul3A_17 = arith.constant 625 : i32
    %mul3A_18 = arith.muli %arg1, %mul3A_17 : i32
    %mul3A_19 = arith.constant 625 : i32
    %mul3A_20 = arith.muli %arg1, %mul3A_19 : i32
    "tpu.region"() ({
      %run_scoped3A = tpu.sem_alloc : memref<!tpu.dma_semaphore, #tpu.memory_space<semaphore_mem>>
      %dma_start3A_21 = arith.constant 0 : i32
      %dma_start3A_22 = arith.constant 0 : i32
      %dma_start3A_23 = tpu.memref_slice %arg5[%arg0, %dma_start3A_21, %dma_start3A_22] : memref<2x10000x16xf32, #tpu.memory_space<hbm>> -> memref<1x10000x16xf32, #tpu.memory_space<hbm>>
      %dma_start3A_24 = tpu.memref_squeeze %dma_start3A_23 : memref<1x10000x16xf32, #tpu.memory_space<hbm>> -> memref<10000x16xf32, #tpu.memory_space<hbm>>
      %dma_start3A_25 = arith.constant 0 : i32
      %dma_start3A_26 = tpu.memref_slice %dma_start3A_24[%mul3A_20, %dma_start3A_25] : memref<10000x16xf32, #tpu.memory_space<hbm>> -> memref<625x16xf32, #tpu.memory_space<hbm>>
      %dma_start3A_27 = arith.constant 0 : i32
      %dma_start3A_28 = tpu.memref_slice %arg8[%mul3A_18, %dma_start3A_27] : memref<10000x16xf32, #tpu.memory_space<vmem_shared>> -> memref<625x16xf32, #tpu.memory_space<vmem_shared>>
      tpu.enqueue_dma source(%dma_start3A_28 : memref<625x16xf32, #tpu.memory_space<vmem_shared>>) target(%dma_start3A_26 : memref<625x16xf32, #tpu.memory_space<hbm>>) target_semaphore(%run_scoped3A : memref<!tpu.dma_semaphore, #tpu.memory_space<semaphore_mem>>)
      %dma_wait3A = arith.constant 0 : i32
      %dma_wait3A_29 = arith.constant 0 : i32
      %dma_wait3A_30 = tpu.memref_slice %arg5[%arg0, %dma_wait3A, %dma_wait3A_29] : memref<2x10000x16xf32, #tpu.memory_space<hbm>> -> memref<1x10000x16xf32, #tpu.memory_space<hbm>>
      %dma_wait3A_31 = tpu.memref_squeeze %dma_wait3A_30 : memref<1x10000x16xf32, #tpu.memory_space<hbm>> -> memref<10000x16xf32, #tpu.memory_space<hbm>>
      %dma_wait3A_32 = arith.constant 0 : i32
      %dma_wait3A_33 = tpu.memref_slice %dma_wait3A_31[%mul3A_20, %dma_wait3A_32] : memref<10000x16xf32, #tpu.memory_space<hbm>> -> memref<625x16xf32, #tpu.memory_space<hbm>>
      %dma_wait3A_34 = arith.constant 0 : i32
      %dma_wait3A_35 = tpu.memref_slice %arg8[%mul3A_18, %dma_wait3A_34] : memref<10000x16xf32, #tpu.memory_space<vmem_shared>> -> memref<625x16xf32, #tpu.memory_space<vmem_shared>>
      tpu.wait_dma2 semaphore(%run_scoped3A : memref<!tpu.dma_semaphore, #tpu.memory_space<semaphore_mem>>) src(%dma_wait3A_35 : memref<625x16xf32, #tpu.memory_space<vmem_shared>>) dst(%dma_wait3A_33 : memref<625x16xf32, #tpu.memory_space<hbm>>)
      tpu.yield
    }) : () -> ()
    return
  }
}

#map = affine_map<(d0, d1) -> (0, 0)>
#map1 = affine_map<(d0, d1) -> (0, 0, 0)>
module attributes {stable_mosaic.version = 14 : i64} {
  func.func @scatter_kernel(%arg0: i32, %arg1: i32, %arg2: memref<10000x48xf32, #tpu.memory_space<hbm>>, %arg3: memref<32x100x100xi32, #tpu.memory_space<hbm>>, %arg4: memref<32x100x100xi32, #tpu.memory_space<hbm>>, %arg5: memref<10000x48xf32, #tpu.memory_space<hbm>>, %arg6: memref<2x10000x48xf32, #tpu.memory_space<hbm>>, %arg7: memref<100x100xi32, #tpu.memory_space<vmem>>, %arg8: memref<100x100xi32, #tpu.memory_space<vmem>>, %arg9: memref<100x48xf32, #tpu.memory_space<vmem>>, %arg10: memref<100x48xf32, #tpu.memory_space<vmem>>, %arg11: memref<10000x48xf32, #tpu.memory_space<vmem_shared>>, %arg12: memref<!tpu.dma_semaphore, #tpu.memory_space<semaphore_mem>>, %arg13: memref<!tpu.dma_semaphore, #tpu.memory_space<semaphore_mem>>) attributes {dimension_semantics = [#tpu.dimension_semantics<core_parallel>, #tpu.dimension_semantics<subcore_parallel>], iteration_bounds = array<i64: 2, 16>, scalar_prefetch = 0 : i64, scratch_operands = 7 : i64, tpu.core_type = #tpu.core_type<sc_vector_subcore>, window_params = [{transform_indices = #map}, {transform_indices = #map1}, {transform_indices = #map1}, {transform_indices = #map}, {transform_indices = #map1}]} {
    %mul3A = arith.constant 16 : i32
    %mul3A_0 = arith.muli %arg0, %mul3A : i32
    %add3A = arith.addi %mul3A_0, %arg1 : i32
    "tpu.region"() ({
      %run_scoped3A = tpu.sem_alloc : memref<!tpu.dma_semaphore, #tpu.memory_space<semaphore_mem>>
      %dma_start3A_21 = arith.constant 0 : i32
      %dma_start3A_22 = arith.constant 0 : i32
      %dma_start3A_23 = tpu.memref_slice %arg3[%add3A, %dma_start3A_21, %dma_start3A_22] : memref<32x100x100xi32, #tpu.memory_space<hbm>> -> memref<1x100x100xi32, #tpu.memory_space<hbm>>
      %dma_start3A_24 = tpu.memref_squeeze %dma_start3A_23 : memref<1x100x100xi32, #tpu.memory_space<hbm>> -> memref<100x100xi32, #tpu.memory_space<hbm>>
      %dma_start3A_25 = arith.constant 0 : i32
      %dma_start3A_26 = arith.constant 0 : i32
      %dma_start3A_27 = tpu.memref_slice %arg3[%add3A, %dma_start3A_25, %dma_start3A_26] : memref<32x100x100xi32, #tpu.memory_space<hbm>> -> memref<1x100x100xi32, #tpu.memory_space<hbm>>
      %dma_start3A_28 = tpu.memref_squeeze %dma_start3A_27 : memref<1x100x100xi32, #tpu.memory_space<hbm>> -> memref<100x100xi32, #tpu.memory_space<hbm>>
      tpu.enqueue_dma source(%dma_start3A_28 : memref<100x100xi32, #tpu.memory_space<hbm>>) target(%arg7 : memref<100x100xi32, #tpu.memory_space<vmem>>) target_semaphore(%run_scoped3A : memref<!tpu.dma_semaphore, #tpu.memory_space<semaphore_mem>>)
      %dma_wait3A = arith.constant 0 : i32
      %dma_wait3A_29 = arith.constant 0 : i32
      %dma_wait3A_30 = tpu.memref_slice %arg3[%add3A, %dma_wait3A, %dma_wait3A_29] : memref<32x100x100xi32, #tpu.memory_space<hbm>> -> memref<1x100x100xi32, #tpu.memory_space<hbm>>
      %dma_wait3A_31 = tpu.memref_squeeze %dma_wait3A_30 : memref<1x100x100xi32, #tpu.memory_space<hbm>> -> memref<100x100xi32, #tpu.memory_space<hbm>>
      %dma_wait3A_32 = arith.constant 0 : i32
      %dma_wait3A_33 = arith.constant 0 : i32
      %dma_wait3A_34 = tpu.memref_slice %arg3[%add3A, %dma_wait3A_32, %dma_wait3A_33] : memref<32x100x100xi32, #tpu.memory_space<hbm>> -> memref<1x100x100xi32, #tpu.memory_space<hbm>>
      %dma_wait3A_35 = tpu.memref_squeeze %dma_wait3A_34 : memref<1x100x100xi32, #tpu.memory_space<hbm>> -> memref<100x100xi32, #tpu.memory_space<hbm>>
      tpu.wait_dma2 semaphore(%run_scoped3A : memref<!tpu.dma_semaphore, #tpu.memory_space<semaphore_mem>>) src(%dma_wait3A_35 : memref<100x100xi32, #tpu.memory_space<hbm>>) dst(%arg7 : memref<100x100xi32, #tpu.memory_space<vmem>>)
      tpu.yield
    }) : () -> ()
    "tpu.region"() ({
      %run_scoped3A = tpu.sem_alloc : memref<!tpu.dma_semaphore, #tpu.memory_space<semaphore_mem>>
      %dma_start3A_21 = arith.constant 0 : i32
      %dma_start3A_22 = arith.constant 0 : i32
      %dma_start3A_23 = tpu.memref_slice %arg4[%add3A, %dma_start3A_21, %dma_start3A_22] : memref<32x100x100xi32, #tpu.memory_space<hbm>> -> memref<1x100x100xi32, #tpu.memory_space<hbm>>
      %dma_start3A_24 = tpu.memref_squeeze %dma_start3A_23 : memref<1x100x100xi32, #tpu.memory_space<hbm>> -> memref<100x100xi32, #tpu.memory_space<hbm>>
      %dma_start3A_25 = arith.constant 0 : i32
      %dma_start3A_26 = arith.constant 0 : i32
      %dma_start3A_27 = tpu.memref_slice %arg4[%add3A, %dma_start3A_25, %dma_start3A_26] : memref<32x100x100xi32, #tpu.memory_space<hbm>> -> memref<1x100x100xi32, #tpu.memory_space<hbm>>
      %dma_start3A_28 = tpu.memref_squeeze %dma_start3A_27 : memref<1x100x100xi32, #tpu.memory_space<hbm>> -> memref<100x100xi32, #tpu.memory_space<hbm>>
      tpu.enqueue_dma source(%dma_start3A_28 : memref<100x100xi32, #tpu.memory_space<hbm>>) target(%arg8 : memref<100x100xi32, #tpu.memory_space<vmem>>) target_semaphore(%run_scoped3A : memref<!tpu.dma_semaphore, #tpu.memory_space<semaphore_mem>>)
      %dma_wait3A = arith.constant 0 : i32
      %dma_wait3A_29 = arith.constant 0 : i32
      %dma_wait3A_30 = tpu.memref_slice %arg4[%add3A, %dma_wait3A, %dma_wait3A_29] : memref<32x100x100xi32, #tpu.memory_space<hbm>> -> memref<1x100x100xi32, #tpu.memory_space<hbm>>
      %dma_wait3A_31 = tpu.memref_squeeze %dma_wait3A_30 : memref<1x100x100xi32, #tpu.memory_space<hbm>> -> memref<100x100xi32, #tpu.memory_space<hbm>>
      %dma_wait3A_32 = arith.constant 0 : i32
      %dma_wait3A_33 = arith.constant 0 : i32
      %dma_wait3A_34 = tpu.memref_slice %arg4[%add3A, %dma_wait3A_32, %dma_wait3A_33] : memref<32x100x100xi32, #tpu.memory_space<hbm>> -> memref<1x100x100xi32, #tpu.memory_space<hbm>>
      %dma_wait3A_35 = tpu.memref_squeeze %dma_wait3A_34 : memref<1x100x100xi32, #tpu.memory_space<hbm>> -> memref<100x100xi32, #tpu.memory_space<hbm>>
      tpu.wait_dma2 semaphore(%run_scoped3A : memref<!tpu.dma_semaphore, #tpu.memory_space<semaphore_mem>>) src(%dma_wait3A_35 : memref<100x100xi32, #tpu.memory_space<hbm>>) dst(%arg8 : memref<100x100xi32, #tpu.memory_space<vmem>>)
      tpu.yield
    }) : () -> ()
    %dma_start3A = arith.constant 0 : i32
    %dma_start3A_1 = arith.constant 0 : i32
    %dma_start3A_2 = tpu.memref_slice %arg7[%dma_start3A, %dma_start3A_1] : memref<100x100xi32, #tpu.memory_space<vmem>> -> memref<1x100xi32, #tpu.memory_space<vmem>>
    %dma_start3A_3 = tpu.memref_squeeze %dma_start3A_2 : memref<1x100xi32, #tpu.memory_space<vmem>> -> memref<100xi32, #tpu.memory_space<vmem>>
    %dma_start3A_4 = arith.constant 0 : i32
    %dma_start3A_5 = arith.constant 0 : i32
    %dma_start3A_6 = tpu.memref_slice %arg2[%dma_start3A_4, %dma_start3A_5] : memref<10000x48xf32, #tpu.memory_space<hbm>> -> memref<10000x48xf32, #tpu.memory_space<hbm>>
    tpu.enqueue_indirect_dma source(%dma_start3A_6 : memref<10000x48xf32, #tpu.memory_space<hbm>>) target(%arg9 : memref<100x48xf32, #tpu.memory_space<vmem>>) offsets(%dma_start3A_3 : memref<100xi32, #tpu.memory_space<vmem>>) semaphore(%arg12 : memref<!tpu.dma_semaphore, #tpu.memory_space<semaphore_mem>>)
    %mul3A_7 = arith.constant 625 : i32
    %mul3A_8 = arith.muli %arg1, %mul3A_7 : i32
    %mul3A_9 = arith.constant 625 : i32
    %mul3A_10 = arith.muli %arg1, %mul3A_9 : i32
    "tpu.region"() ({
      %run_scoped3A = tpu.sem_alloc : memref<!tpu.dma_semaphore, #tpu.memory_space<semaphore_mem>>
      %dma_start3A_21 = arith.constant 0 : i32
      %dma_start3A_22 = tpu.memref_slice %arg11[%mul3A_10, %dma_start3A_21] : memref<10000x48xf32, #tpu.memory_space<vmem_shared>> -> memref<625x48xf32, #tpu.memory_space<vmem_shared>>
      %dma_start3A_23 = arith.constant 0 : i32
      %dma_start3A_24 = tpu.memref_slice %arg5[%mul3A_8, %dma_start3A_23] : memref<10000x48xf32, #tpu.memory_space<hbm>> -> memref<625x48xf32, #tpu.memory_space<hbm>>
      tpu.enqueue_dma source(%dma_start3A_24 : memref<625x48xf32, #tpu.memory_space<hbm>>) target(%dma_start3A_22 : memref<625x48xf32, #tpu.memory_space<vmem_shared>>) target_semaphore(%run_scoped3A : memref<!tpu.dma_semaphore, #tpu.memory_space<semaphore_mem>>)
      %dma_wait3A = arith.constant 0 : i32
      %dma_wait3A_25 = tpu.memref_slice %arg11[%mul3A_10, %dma_wait3A] : memref<10000x48xf32, #tpu.memory_space<vmem_shared>> -> memref<625x48xf32, #tpu.memory_space<vmem_shared>>
      %dma_wait3A_26 = arith.constant 0 : i32
      %dma_wait3A_27 = tpu.memref_slice %arg5[%mul3A_8, %dma_wait3A_26] : memref<10000x48xf32, #tpu.memory_space<hbm>> -> memref<625x48xf32, #tpu.memory_space<hbm>>
      tpu.wait_dma2 semaphore(%run_scoped3A : memref<!tpu.dma_semaphore, #tpu.memory_space<semaphore_mem>>) src(%dma_wait3A_27 : memref<625x48xf32, #tpu.memory_space<hbm>>) dst(%dma_wait3A_25 : memref<625x48xf32, #tpu.memory_space<vmem_shared>>)
      tpu.yield
    }) : () -> ()
    %barrier3A = arith.constant 0 : index
    tpu.barrier barrier_id(%barrier3A)
    %scan3A = arith.constant 0 : i32
    %scan3A_11 = arith.constant 0 : i32
    %scan3A_12 = arith.constant 50 : i32
    %scan3A_13 = arith.addi %scan3A_11, %scan3A_12 : i32
    %scan3A_14 = arith.constant 1 : i32
    scf.for %scan3A_21 = %scan3A_11 to %scan3A_13 step %scan3A_14  : i32 {
      %mul3A_22 = arith.constant 2 : i32
      %mul3A_23 = arith.muli %mul3A_22, %scan3A_21 : i32
      %mul3A_24 = arith.constant 2 : i32
      %mul3A_25 = arith.muli %mul3A_24, %scan3A_21 : i32
      %add3A_26 = arith.constant 1 : i32
      %add3A_27 = arith.addi %mul3A_25, %add3A_26 : i32
      %dma_start3A_28 = arith.constant 0 : i32
      %dma_start3A_29 = tpu.memref_slice %arg7[%add3A_27, %dma_start3A_28] : memref<100x100xi32, #tpu.memory_space<vmem>> -> memref<1x100xi32, #tpu.memory_space<vmem>>
      %dma_start3A_30 = tpu.memref_squeeze %dma_start3A_29 : memref<1x100xi32, #tpu.memory_space<vmem>> -> memref<100xi32, #tpu.memory_space<vmem>>
      %dma_start3A_31 = arith.constant 0 : i32
      %dma_start3A_32 = arith.constant 0 : i32
      %dma_start3A_33 = tpu.memref_slice %arg2[%dma_start3A_31, %dma_start3A_32] : memref<10000x48xf32, #tpu.memory_space<hbm>> -> memref<10000x48xf32, #tpu.memory_space<hbm>>
      tpu.enqueue_indirect_dma source(%dma_start3A_33 : memref<10000x48xf32, #tpu.memory_space<hbm>>) target(%arg10 : memref<100x48xf32, #tpu.memory_space<vmem>>) offsets(%dma_start3A_30 : memref<100xi32, #tpu.memory_space<vmem>>) semaphore(%arg13 : memref<!tpu.dma_semaphore, #tpu.memory_space<semaphore_mem>>)
      %dma_wait3A = arith.constant 0 : i32
      %dma_wait3A_34 = tpu.memref_slice %arg7[%mul3A_23, %dma_wait3A] : memref<100x100xi32, #tpu.memory_space<vmem>> -> memref<1x100xi32, #tpu.memory_space<vmem>>
      %dma_wait3A_35 = tpu.memref_squeeze %dma_wait3A_34 : memref<1x100xi32, #tpu.memory_space<vmem>> -> memref<100xi32, #tpu.memory_space<vmem>>
      %dma_wait3A_36 = arith.constant 0 : i32
      %dma_wait3A_37 = arith.constant 0 : i32
      %dma_wait3A_38 = tpu.memref_slice %arg2[%dma_wait3A_36, %dma_wait3A_37] : memref<10000x48xf32, #tpu.memory_space<hbm>> -> memref<10000x48xf32, #tpu.memory_space<hbm>>
      tpu.wait_indirect_dma semaphore(%arg12 : memref<!tpu.dma_semaphore, #tpu.memory_space<semaphore_mem>>) src(%dma_wait3A_38 : memref<10000x48xf32, #tpu.memory_space<hbm>>) dst(%arg9 : memref<100x48xf32, #tpu.memory_space<vmem>>)
      "tpu.region"() ({
        %run_scoped3A = tpu.sem_alloc : memref<!tpu.dma_semaphore, #tpu.memory_space<semaphore_mem>>
        %dma_start3A_49 = arith.constant 0 : i32
        %dma_start3A_50 = tpu.memref_slice %arg8[%mul3A_23, %dma_start3A_49] : memref<100x100xi32, #tpu.memory_space<vmem>> -> memref<1x100xi32, #tpu.memory_space<vmem>>
        %dma_start3A_51 = tpu.memref_squeeze %dma_start3A_50 : memref<1x100xi32, #tpu.memory_space<vmem>> -> memref<100xi32, #tpu.memory_space<vmem>>
        %dma_start3A_52 = arith.constant 0 : i32
        %dma_start3A_53 = arith.constant 0 : i32
        %dma_start3A_54 = tpu.memref_slice %arg11[%dma_start3A_52, %dma_start3A_53] : memref<10000x48xf32, #tpu.memory_space<vmem_shared>> -> memref<10000x48xf32, #tpu.memory_space<vmem_shared>>
        tpu.enqueue_indirect_dma source(%arg9 : memref<100x48xf32, #tpu.memory_space<vmem>>) target(%dma_start3A_54 : memref<10000x48xf32, #tpu.memory_space<vmem_shared>>) offsets(%dma_start3A_51 : memref<100xi32, #tpu.memory_space<vmem>>) semaphore(%run_scoped3A : memref<!tpu.dma_semaphore, #tpu.memory_space<semaphore_mem>>) {add = true}
        %dma_wait3A_55 = arith.constant 0 : i32
        %dma_wait3A_56 = tpu.memref_slice %arg8[%mul3A_23, %dma_wait3A_55] : memref<100x100xi32, #tpu.memory_space<vmem>> -> memref<1x100xi32, #tpu.memory_space<vmem>>
        %dma_wait3A_57 = tpu.memref_squeeze %dma_wait3A_56 : memref<1x100xi32, #tpu.memory_space<vmem>> -> memref<100xi32, #tpu.memory_space<vmem>>
        %dma_wait3A_58 = arith.constant 0 : i32
        %dma_wait3A_59 = arith.constant 0 : i32
        %dma_wait3A_60 = tpu.memref_slice %arg11[%dma_wait3A_58, %dma_wait3A_59] : memref<10000x48xf32, #tpu.memory_space<vmem_shared>> -> memref<10000x48xf32, #tpu.memory_space<vmem_shared>>
        tpu.wait_indirect_dma semaphore(%run_scoped3A : memref<!tpu.dma_semaphore, #tpu.memory_space<semaphore_mem>>) src(%arg9 : memref<100x48xf32, #tpu.memory_space<vmem>>) dst(%dma_wait3A_60 : memref<10000x48xf32, #tpu.memory_space<vmem_shared>>)
        tpu.yield
      }) : () -> ()
      %add3A_39 = arith.constant 2 : i32
      %add3A_40 = arith.addi %mul3A_23, %add3A_39 : i32
      %lt3A = arith.constant 100 : i32
      %lt3A_41 = arith.cmpi slt, %add3A_40, %lt3A : i32
      %convert_element_type3A = arith.extui %lt3A_41 : i1 to i32
      %cond3A = arith.constant 0 : i32
      %cond3A_42 = arith.cmpi ne, %convert_element_type3A, %cond3A : i32
      scf.if %cond3A_42 {
        %add3A_49 = arith.constant 2 : i32
        %add3A_50 = arith.addi %mul3A_23, %add3A_49 : i32
        %dma_start3A_51 = arith.constant 0 : i32
        %dma_start3A_52 = tpu.memref_slice %arg7[%add3A_50, %dma_start3A_51] : memref<100x100xi32, #tpu.memory_space<vmem>> -> memref<1x100xi32, #tpu.memory_space<vmem>>
        %dma_start3A_53 = tpu.memref_squeeze %dma_start3A_52 : memref<1x100xi32, #tpu.memory_space<vmem>> -> memref<100xi32, #tpu.memory_space<vmem>>
        %dma_start3A_54 = arith.constant 0 : i32
        %dma_start3A_55 = arith.constant 0 : i32
        %dma_start3A_56 = tpu.memref_slice %arg2[%dma_start3A_54, %dma_start3A_55] : memref<10000x48xf32, #tpu.memory_space<hbm>> -> memref<10000x48xf32, #tpu.memory_space<hbm>>
        tpu.enqueue_indirect_dma source(%dma_start3A_56 : memref<10000x48xf32, #tpu.memory_space<hbm>>) target(%arg9 : memref<100x48xf32, #tpu.memory_space<vmem>>) offsets(%dma_start3A_53 : memref<100xi32, #tpu.memory_space<vmem>>) semaphore(%arg12 : memref<!tpu.dma_semaphore, #tpu.memory_space<semaphore_mem>>)
      } else {
      }
      %dma_wait3A_43 = arith.constant 0 : i32
      %dma_wait3A_44 = tpu.memref_slice %arg7[%add3A_27, %dma_wait3A_43] : memref<100x100xi32, #tpu.memory_space<vmem>> -> memref<1x100xi32, #tpu.memory_space<vmem>>
      %dma_wait3A_45 = tpu.memref_squeeze %dma_wait3A_44 : memref<1x100xi32, #tpu.memory_space<vmem>> -> memref<100xi32, #tpu.memory_space<vmem>>
      %dma_wait3A_46 = arith.constant 0 : i32
      %dma_wait3A_47 = arith.constant 0 : i32
      %dma_wait3A_48 = tpu.memref_slice %arg2[%dma_wait3A_46, %dma_wait3A_47] : memref<10000x48xf32, #tpu.memory_space<hbm>> -> memref<10000x48xf32, #tpu.memory_space<hbm>>
      tpu.wait_indirect_dma semaphore(%arg13 : memref<!tpu.dma_semaphore, #tpu.memory_space<semaphore_mem>>) src(%dma_wait3A_48 : memref<10000x48xf32, #tpu.memory_space<hbm>>) dst(%arg10 : memref<100x48xf32, #tpu.memory_space<vmem>>)
      "tpu.region"() ({
        %run_scoped3A = tpu.sem_alloc : memref<!tpu.dma_semaphore, #tpu.memory_space<semaphore_mem>>
        %dma_start3A_49 = arith.constant 0 : i32
        %dma_start3A_50 = tpu.memref_slice %arg8[%add3A_27, %dma_start3A_49] : memref<100x100xi32, #tpu.memory_space<vmem>> -> memref<1x100xi32, #tpu.memory_space<vmem>>
        %dma_start3A_51 = tpu.memref_squeeze %dma_start3A_50 : memref<1x100xi32, #tpu.memory_space<vmem>> -> memref<100xi32, #tpu.memory_space<vmem>>
        %dma_start3A_52 = arith.constant 0 : i32
        %dma_start3A_53 = arith.constant 0 : i32
        %dma_start3A_54 = tpu.memref_slice %arg11[%dma_start3A_52, %dma_start3A_53] : memref<10000x48xf32, #tpu.memory_space<vmem_shared>> -> memref<10000x48xf32, #tpu.memory_space<vmem_shared>>
        tpu.enqueue_indirect_dma source(%arg10 : memref<100x48xf32, #tpu.memory_space<vmem>>) target(%dma_start3A_54 : memref<10000x48xf32, #tpu.memory_space<vmem_shared>>) offsets(%dma_start3A_51 : memref<100xi32, #tpu.memory_space<vmem>>) semaphore(%run_scoped3A : memref<!tpu.dma_semaphore, #tpu.memory_space<semaphore_mem>>) {add = true}
        %dma_wait3A_55 = arith.constant 0 : i32
        %dma_wait3A_56 = tpu.memref_slice %arg8[%add3A_27, %dma_wait3A_55] : memref<100x100xi32, #tpu.memory_space<vmem>> -> memref<1x100xi32, #tpu.memory_space<vmem>>
        %dma_wait3A_57 = tpu.memref_squeeze %dma_wait3A_56 : memref<1x100xi32, #tpu.memory_space<vmem>> -> memref<100xi32, #tpu.memory_space<vmem>>
        %dma_wait3A_58 = arith.constant 0 : i32
        %dma_wait3A_59 = arith.constant 0 : i32
        %dma_wait3A_60 = tpu.memref_slice %arg11[%dma_wait3A_58, %dma_wait3A_59] : memref<10000x48xf32, #tpu.memory_space<vmem_shared>> -> memref<10000x48xf32, #tpu.memory_space<vmem_shared>>
        tpu.wait_indirect_dma semaphore(%run_scoped3A : memref<!tpu.dma_semaphore, #tpu.memory_space<semaphore_mem>>) src(%arg10 : memref<100x48xf32, #tpu.memory_space<vmem>>) dst(%dma_wait3A_60 : memref<10000x48xf32, #tpu.memory_space<vmem_shared>>)
        tpu.yield
      }) : () -> ()
    }
    %scan3A_15 = arith.constant 50 : i32
    %barrier3A_16 = arith.constant 0 : index
    tpu.barrier barrier_id(%barrier3A_16)
    %mul3A_17 = arith.constant 625 : i32
    %mul3A_18 = arith.muli %arg1, %mul3A_17 : i32
    %mul3A_19 = arith.constant 625 : i32
    %mul3A_20 = arith.muli %arg1, %mul3A_19 : i32
    "tpu.region"() ({
      %run_scoped3A = tpu.sem_alloc : memref<!tpu.dma_semaphore, #tpu.memory_space<semaphore_mem>>
      %dma_start3A_21 = arith.constant 0 : i32
      %dma_start3A_22 = arith.constant 0 : i32
      %dma_start3A_23 = tpu.memref_slice %arg6[%arg0, %dma_start3A_21, %dma_start3A_22] : memref<2x10000x48xf32, #tpu.memory_space<hbm>> -> memref<1x10000x48xf32, #tpu.memory_space<hbm>>
      %dma_start3A_24 = tpu.memref_squeeze %dma_start3A_23 : memref<1x10000x48xf32, #tpu.memory_space<hbm>> -> memref<10000x48xf32, #tpu.memory_space<hbm>>
      %dma_start3A_25 = arith.constant 0 : i32
      %dma_start3A_26 = tpu.memref_slice %dma_start3A_24[%mul3A_20, %dma_start3A_25] : memref<10000x48xf32, #tpu.memory_space<hbm>> -> memref<625x48xf32, #tpu.memory_space<hbm>>
      %dma_start3A_27 = arith.constant 0 : i32
      %dma_start3A_28 = tpu.memref_slice %arg11[%mul3A_18, %dma_start3A_27] : memref<10000x48xf32, #tpu.memory_space<vmem_shared>> -> memref<625x48xf32, #tpu.memory_space<vmem_shared>>
      tpu.enqueue_dma source(%dma_start3A_28 : memref<625x48xf32, #tpu.memory_space<vmem_shared>>) target(%dma_start3A_26 : memref<625x48xf32, #tpu.memory_space<hbm>>) target_semaphore(%run_scoped3A : memref<!tpu.dma_semaphore, #tpu.memory_space<semaphore_mem>>)
      %dma_wait3A = arith.constant 0 : i32
      %dma_wait3A_29 = arith.constant 0 : i32
      %dma_wait3A_30 = tpu.memref_slice %arg6[%arg0, %dma_wait3A, %dma_wait3A_29] : memref<2x10000x48xf32, #tpu.memory_space<hbm>> -> memref<1x10000x48xf32, #tpu.memory_space<hbm>>
      %dma_wait3A_31 = tpu.memref_squeeze %dma_wait3A_30 : memref<1x10000x48xf32, #tpu.memory_space<hbm>> -> memref<10000x48xf32, #tpu.memory_space<hbm>>
      %dma_wait3A_32 = arith.constant 0 : i32
      %dma_wait3A_33 = tpu.memref_slice %dma_wait3A_31[%mul3A_20, %dma_wait3A_32] : memref<10000x48xf32, #tpu.memory_space<hbm>> -> memref<625x48xf32, #tpu.memory_space<hbm>>
      %dma_wait3A_34 = arith.constant 0 : i32
      %dma_wait3A_35 = tpu.memref_slice %arg11[%mul3A_18, %dma_wait3A_34] : memref<10000x48xf32, #tpu.memory_space<vmem_shared>> -> memref<625x48xf32, #tpu.memory_space<vmem_shared>>
      tpu.wait_dma2 semaphore(%run_scoped3A : memref<!tpu.dma_semaphore, #tpu.memory_space<semaphore_mem>>) src(%dma_wait3A_35 : memref<625x48xf32, #tpu.memory_space<vmem_shared>>) dst(%dma_wait3A_33 : memref<625x48xf32, #tpu.memory_space<hbm>>)
      tpu.yield
    }) : () -> ()
    return
  }
}

#map = affine_map<(d0, d1) -> (0, 0)>
#map1 = affine_map<(d0, d1) -> (0, 0, 0)>
module attributes {stable_mosaic.version = 14 : i64} {
  func.func @scatter_kernel(%arg0: i32, %arg1: i32, %arg2: memref<10000x128xf32, #tpu.memory_space<hbm>>, %arg3: memref<32x100x100xi32, #tpu.memory_space<hbm>>, %arg4: memref<32x100x100xi32, #tpu.memory_space<hbm>>, %arg5: memref<10000x128xf32, #tpu.memory_space<hbm>>, %arg6: memref<2x10000x128xf32, #tpu.memory_space<hbm>>, %arg7: memref<100x100xi32, #tpu.memory_space<vmem>>, %arg8: memref<100x100xi32, #tpu.memory_space<vmem>>, %arg9: memref<100x128xf32, #tpu.memory_space<vmem>>, %arg10: memref<100x128xf32, #tpu.memory_space<vmem>>, %arg11: memref<10000x128xf32, #tpu.memory_space<vmem_shared>>, %arg12: memref<!tpu.dma_semaphore, #tpu.memory_space<semaphore_mem>>, %arg13: memref<!tpu.dma_semaphore, #tpu.memory_space<semaphore_mem>>) attributes {dimension_semantics = [#tpu.dimension_semantics<core_parallel>, #tpu.dimension_semantics<subcore_parallel>], iteration_bounds = array<i64: 2, 16>, scalar_prefetch = 0 : i64, scratch_operands = 7 : i64, tpu.core_type = #tpu.core_type<sc_vector_subcore>, window_params = [{transform_indices = #map}, {transform_indices = #map1}, {transform_indices = #map1}, {transform_indices = #map}, {transform_indices = #map1}]} {
    %mul3A = arith.constant 16 : i32
    %mul3A_0 = arith.muli %arg0, %mul3A : i32
    %add3A = arith.addi %mul3A_0, %arg1 : i32
    "tpu.region"() ({
      %run_scoped3A = tpu.sem_alloc : memref<!tpu.dma_semaphore, #tpu.memory_space<semaphore_mem>>
      %dma_start3A_21 = arith.constant 0 : i32
      %dma_start3A_22 = arith.constant 0 : i32
      %dma_start3A_23 = tpu.memref_slice %arg3[%add3A, %dma_start3A_21, %dma_start3A_22] : memref<32x100x100xi32, #tpu.memory_space<hbm>> -> memref<1x100x100xi32, #tpu.memory_space<hbm>>
      %dma_start3A_24 = tpu.memref_squeeze %dma_start3A_23 : memref<1x100x100xi32, #tpu.memory_space<hbm>> -> memref<100x100xi32, #tpu.memory_space<hbm>>
      %dma_start3A_25 = arith.constant 0 : i32
      %dma_start3A_26 = arith.constant 0 : i32
      %dma_start3A_27 = tpu.memref_slice %arg3[%add3A, %dma_start3A_25, %dma_start3A_26] : memref<32x100x100xi32, #tpu.memory_space<hbm>> -> memref<1x100x100xi32, #tpu.memory_space<hbm>>
      %dma_start3A_28 = tpu.memref_squeeze %dma_start3A_27 : memref<1x100x100xi32, #tpu.memory_space<hbm>> -> memref<100x100xi32, #tpu.memory_space<hbm>>
      tpu.enqueue_dma source(%dma_start3A_28 : memref<100x100xi32, #tpu.memory_space<hbm>>) target(%arg7 : memref<100x100xi32, #tpu.memory_space<vmem>>) target_semaphore(%run_scoped3A : memref<!tpu.dma_semaphore, #tpu.memory_space<semaphore_mem>>)
      %dma_wait3A = arith.constant 0 : i32
      %dma_wait3A_29 = arith.constant 0 : i32
      %dma_wait3A_30 = tpu.memref_slice %arg3[%add3A, %dma_wait3A, %dma_wait3A_29] : memref<32x100x100xi32, #tpu.memory_space<hbm>> -> memref<1x100x100xi32, #tpu.memory_space<hbm>>
      %dma_wait3A_31 = tpu.memref_squeeze %dma_wait3A_30 : memref<1x100x100xi32, #tpu.memory_space<hbm>> -> memref<100x100xi32, #tpu.memory_space<hbm>>
      %dma_wait3A_32 = arith.constant 0 : i32
      %dma_wait3A_33 = arith.constant 0 : i32
      %dma_wait3A_34 = tpu.memref_slice %arg3[%add3A, %dma_wait3A_32, %dma_wait3A_33] : memref<32x100x100xi32, #tpu.memory_space<hbm>> -> memref<1x100x100xi32, #tpu.memory_space<hbm>>
      %dma_wait3A_35 = tpu.memref_squeeze %dma_wait3A_34 : memref<1x100x100xi32, #tpu.memory_space<hbm>> -> memref<100x100xi32, #tpu.memory_space<hbm>>
      tpu.wait_dma2 semaphore(%run_scoped3A : memref<!tpu.dma_semaphore, #tpu.memory_space<semaphore_mem>>) src(%dma_wait3A_35 : memref<100x100xi32, #tpu.memory_space<hbm>>) dst(%arg7 : memref<100x100xi32, #tpu.memory_space<vmem>>)
      tpu.yield
    }) : () -> ()
    "tpu.region"() ({
      %run_scoped3A = tpu.sem_alloc : memref<!tpu.dma_semaphore, #tpu.memory_space<semaphore_mem>>
      %dma_start3A_21 = arith.constant 0 : i32
      %dma_start3A_22 = arith.constant 0 : i32
      %dma_start3A_23 = tpu.memref_slice %arg4[%add3A, %dma_start3A_21, %dma_start3A_22] : memref<32x100x100xi32, #tpu.memory_space<hbm>> -> memref<1x100x100xi32, #tpu.memory_space<hbm>>
      %dma_start3A_24 = tpu.memref_squeeze %dma_start3A_23 : memref<1x100x100xi32, #tpu.memory_space<hbm>> -> memref<100x100xi32, #tpu.memory_space<hbm>>
      %dma_start3A_25 = arith.constant 0 : i32
      %dma_start3A_26 = arith.constant 0 : i32
      %dma_start3A_27 = tpu.memref_slice %arg4[%add3A, %dma_start3A_25, %dma_start3A_26] : memref<32x100x100xi32, #tpu.memory_space<hbm>> -> memref<1x100x100xi32, #tpu.memory_space<hbm>>
      %dma_start3A_28 = tpu.memref_squeeze %dma_start3A_27 : memref<1x100x100xi32, #tpu.memory_space<hbm>> -> memref<100x100xi32, #tpu.memory_space<hbm>>
      tpu.enqueue_dma source(%dma_start3A_28 : memref<100x100xi32, #tpu.memory_space<hbm>>) target(%arg8 : memref<100x100xi32, #tpu.memory_space<vmem>>) target_semaphore(%run_scoped3A : memref<!tpu.dma_semaphore, #tpu.memory_space<semaphore_mem>>)
      %dma_wait3A = arith.constant 0 : i32
      %dma_wait3A_29 = arith.constant 0 : i32
      %dma_wait3A_30 = tpu.memref_slice %arg4[%add3A, %dma_wait3A, %dma_wait3A_29] : memref<32x100x100xi32, #tpu.memory_space<hbm>> -> memref<1x100x100xi32, #tpu.memory_space<hbm>>
      %dma_wait3A_31 = tpu.memref_squeeze %dma_wait3A_30 : memref<1x100x100xi32, #tpu.memory_space<hbm>> -> memref<100x100xi32, #tpu.memory_space<hbm>>
      %dma_wait3A_32 = arith.constant 0 : i32
      %dma_wait3A_33 = arith.constant 0 : i32
      %dma_wait3A_34 = tpu.memref_slice %arg4[%add3A, %dma_wait3A_32, %dma_wait3A_33] : memref<32x100x100xi32, #tpu.memory_space<hbm>> -> memref<1x100x100xi32, #tpu.memory_space<hbm>>
      %dma_wait3A_35 = tpu.memref_squeeze %dma_wait3A_34 : memref<1x100x100xi32, #tpu.memory_space<hbm>> -> memref<100x100xi32, #tpu.memory_space<hbm>>
      tpu.wait_dma2 semaphore(%run_scoped3A : memref<!tpu.dma_semaphore, #tpu.memory_space<semaphore_mem>>) src(%dma_wait3A_35 : memref<100x100xi32, #tpu.memory_space<hbm>>) dst(%arg8 : memref<100x100xi32, #tpu.memory_space<vmem>>)
      tpu.yield
    }) : () -> ()
    %dma_start3A = arith.constant 0 : i32
    %dma_start3A_1 = arith.constant 0 : i32
    %dma_start3A_2 = tpu.memref_slice %arg7[%dma_start3A, %dma_start3A_1] : memref<100x100xi32, #tpu.memory_space<vmem>> -> memref<1x100xi32, #tpu.memory_space<vmem>>
    %dma_start3A_3 = tpu.memref_squeeze %dma_start3A_2 : memref<1x100xi32, #tpu.memory_space<vmem>> -> memref<100xi32, #tpu.memory_space<vmem>>
    %dma_start3A_4 = arith.constant 0 : i32
    %dma_start3A_5 = arith.constant 0 : i32
    %dma_start3A_6 = tpu.memref_slice %arg2[%dma_start3A_4, %dma_start3A_5] : memref<10000x128xf32, #tpu.memory_space<hbm>> -> memref<10000x128xf32, #tpu.memory_space<hbm>>
    tpu.enqueue_indirect_dma source(%dma_start3A_6 : memref<10000x128xf32, #tpu.memory_space<hbm>>) target(%arg9 : memref<100x128xf32, #tpu.memory_space<vmem>>) offsets(%dma_start3A_3 : memref<100xi32, #tpu.memory_space<vmem>>) semaphore(%arg12 : memref<!tpu.dma_semaphore, #tpu.memory_space<semaphore_mem>>)
    %mul3A_7 = arith.constant 625 : i32
    %mul3A_8 = arith.muli %arg1, %mul3A_7 : i32
    %mul3A_9 = arith.constant 625 : i32
    %mul3A_10 = arith.muli %arg1, %mul3A_9 : i32
    "tpu.region"() ({
      %run_scoped3A = tpu.sem_alloc : memref<!tpu.dma_semaphore, #tpu.memory_space<semaphore_mem>>
      %dma_start3A_21 = arith.constant 0 : i32
      %dma_start3A_22 = tpu.memref_slice %arg11[%mul3A_10, %dma_start3A_21] : memref<10000x128xf32, #tpu.memory_space<vmem_shared>> -> memref<625x128xf32, #tpu.memory_space<vmem_shared>>
      %dma_start3A_23 = arith.constant 0 : i32
      %dma_start3A_24 = tpu.memref_slice %arg5[%mul3A_8, %dma_start3A_23] : memref<10000x128xf32, #tpu.memory_space<hbm>> -> memref<625x128xf32, #tpu.memory_space<hbm>>
      tpu.enqueue_dma source(%dma_start3A_24 : memref<625x128xf32, #tpu.memory_space<hbm>>) target(%dma_start3A_22 : memref<625x128xf32, #tpu.memory_space<vmem_shared>>) target_semaphore(%run_scoped3A : memref<!tpu.dma_semaphore, #tpu.memory_space<semaphore_mem>>)
      %dma_wait3A = arith.constant 0 : i32
      %dma_wait3A_25 = tpu.memref_slice %arg11[%mul3A_10, %dma_wait3A] : memref<10000x128xf32, #tpu.memory_space<vmem_shared>> -> memref<625x128xf32, #tpu.memory_space<vmem_shared>>
      %dma_wait3A_26 = arith.constant 0 : i32
      %dma_wait3A_27 = tpu.memref_slice %arg5[%mul3A_8, %dma_wait3A_26] : memref<10000x128xf32, #tpu.memory_space<hbm>> -> memref<625x128xf32, #tpu.memory_space<hbm>>
      tpu.wait_dma2 semaphore(%run_scoped3A : memref<!tpu.dma_semaphore, #tpu.memory_space<semaphore_mem>>) src(%dma_wait3A_27 : memref<625x128xf32, #tpu.memory_space<hbm>>) dst(%dma_wait3A_25 : memref<625x128xf32, #tpu.memory_space<vmem_shared>>)
      tpu.yield
    }) : () -> ()
    %barrier3A = arith.constant 0 : index
    tpu.barrier barrier_id(%barrier3A)
    %scan3A = arith.constant 0 : i32
    %scan3A_11 = arith.constant 0 : i32
    %scan3A_12 = arith.constant 50 : i32
    %scan3A_13 = arith.addi %scan3A_11, %scan3A_12 : i32
    %scan3A_14 = arith.constant 1 : i32
    scf.for %scan3A_21 = %scan3A_11 to %scan3A_13 step %scan3A_14  : i32 {
      %mul3A_22 = arith.constant 2 : i32
      %mul3A_23 = arith.muli %mul3A_22, %scan3A_21 : i32
      %mul3A_24 = arith.constant 2 : i32
      %mul3A_25 = arith.muli %mul3A_24, %scan3A_21 : i32
      %add3A_26 = arith.constant 1 : i32
      %add3A_27 = arith.addi %mul3A_25, %add3A_26 : i32
      %dma_start3A_28 = arith.constant 0 : i32
      %dma_start3A_29 = tpu.memref_slice %arg7[%add3A_27, %dma_start3A_28] : memref<100x100xi32, #tpu.memory_space<vmem>> -> memref<1x100xi32, #tpu.memory_space<vmem>>
      %dma_start3A_30 = tpu.memref_squeeze %dma_start3A_29 : memref<1x100xi32, #tpu.memory_space<vmem>> -> memref<100xi32, #tpu.memory_space<vmem>>
      %dma_start3A_31 = arith.constant 0 : i32
      %dma_start3A_32 = arith.constant 0 : i32
      %dma_start3A_33 = tpu.memref_slice %arg2[%dma_start3A_31, %dma_start3A_32] : memref<10000x128xf32, #tpu.memory_space<hbm>> -> memref<10000x128xf32, #tpu.memory_space<hbm>>
      tpu.enqueue_indirect_dma source(%dma_start3A_33 : memref<10000x128xf32, #tpu.memory_space<hbm>>) target(%arg10 : memref<100x128xf32, #tpu.memory_space<vmem>>) offsets(%dma_start3A_30 : memref<100xi32, #tpu.memory_space<vmem>>) semaphore(%arg13 : memref<!tpu.dma_semaphore, #tpu.memory_space<semaphore_mem>>)
      %dma_wait3A = arith.constant 0 : i32
      %dma_wait3A_34 = tpu.memref_slice %arg7[%mul3A_23, %dma_wait3A] : memref<100x100xi32, #tpu.memory_space<vmem>> -> memref<1x100xi32, #tpu.memory_space<vmem>>
      %dma_wait3A_35 = tpu.memref_squeeze %dma_wait3A_34 : memref<1x100xi32, #tpu.memory_space<vmem>> -> memref<100xi32, #tpu.memory_space<vmem>>
      %dma_wait3A_36 = arith.constant 0 : i32
      %dma_wait3A_37 = arith.constant 0 : i32
      %dma_wait3A_38 = tpu.memref_slice %arg2[%dma_wait3A_36, %dma_wait3A_37] : memref<10000x128xf32, #tpu.memory_space<hbm>> -> memref<10000x128xf32, #tpu.memory_space<hbm>>
      tpu.wait_indirect_dma semaphore(%arg12 : memref<!tpu.dma_semaphore, #tpu.memory_space<semaphore_mem>>) src(%dma_wait3A_38 : memref<10000x128xf32, #tpu.memory_space<hbm>>) dst(%arg9 : memref<100x128xf32, #tpu.memory_space<vmem>>)
      "tpu.region"() ({
        %run_scoped3A = tpu.sem_alloc : memref<!tpu.dma_semaphore, #tpu.memory_space<semaphore_mem>>
        %dma_start3A_49 = arith.constant 0 : i32
        %dma_start3A_50 = tpu.memref_slice %arg8[%mul3A_23, %dma_start3A_49] : memref<100x100xi32, #tpu.memory_space<vmem>> -> memref<1x100xi32, #tpu.memory_space<vmem>>
        %dma_start3A_51 = tpu.memref_squeeze %dma_start3A_50 : memref<1x100xi32, #tpu.memory_space<vmem>> -> memref<100xi32, #tpu.memory_space<vmem>>
        %dma_start3A_52 = arith.constant 0 : i32
        %dma_start3A_53 = arith.constant 0 : i32
        %dma_start3A_54 = tpu.memref_slice %arg11[%dma_start3A_52, %dma_start3A_53] : memref<10000x128xf32, #tpu.memory_space<vmem_shared>> -> memref<10000x128xf32, #tpu.memory_space<vmem_shared>>
        tpu.enqueue_indirect_dma source(%arg9 : memref<100x128xf32, #tpu.memory_space<vmem>>) target(%dma_start3A_54 : memref<10000x128xf32, #tpu.memory_space<vmem_shared>>) offsets(%dma_start3A_51 : memref<100xi32, #tpu.memory_space<vmem>>) semaphore(%run_scoped3A : memref<!tpu.dma_semaphore, #tpu.memory_space<semaphore_mem>>) {add = true}
        %dma_wait3A_55 = arith.constant 0 : i32
        %dma_wait3A_56 = tpu.memref_slice %arg8[%mul3A_23, %dma_wait3A_55] : memref<100x100xi32, #tpu.memory_space<vmem>> -> memref<1x100xi32, #tpu.memory_space<vmem>>
        %dma_wait3A_57 = tpu.memref_squeeze %dma_wait3A_56 : memref<1x100xi32, #tpu.memory_space<vmem>> -> memref<100xi32, #tpu.memory_space<vmem>>
        %dma_wait3A_58 = arith.constant 0 : i32
        %dma_wait3A_59 = arith.constant 0 : i32
        %dma_wait3A_60 = tpu.memref_slice %arg11[%dma_wait3A_58, %dma_wait3A_59] : memref<10000x128xf32, #tpu.memory_space<vmem_shared>> -> memref<10000x128xf32, #tpu.memory_space<vmem_shared>>
        tpu.wait_indirect_dma semaphore(%run_scoped3A : memref<!tpu.dma_semaphore, #tpu.memory_space<semaphore_mem>>) src(%arg9 : memref<100x128xf32, #tpu.memory_space<vmem>>) dst(%dma_wait3A_60 : memref<10000x128xf32, #tpu.memory_space<vmem_shared>>)
        tpu.yield
      }) : () -> ()
      %add3A_39 = arith.constant 2 : i32
      %add3A_40 = arith.addi %mul3A_23, %add3A_39 : i32
      %lt3A = arith.constant 100 : i32
      %lt3A_41 = arith.cmpi slt, %add3A_40, %lt3A : i32
      %convert_element_type3A = arith.extui %lt3A_41 : i1 to i32
      %cond3A = arith.constant 0 : i32
      %cond3A_42 = arith.cmpi ne, %convert_element_type3A, %cond3A : i32
      scf.if %cond3A_42 {
        %add3A_49 = arith.constant 2 : i32
        %add3A_50 = arith.addi %mul3A_23, %add3A_49 : i32
        %dma_start3A_51 = arith.constant 0 : i32
        %dma_start3A_52 = tpu.memref_slice %arg7[%add3A_50, %dma_start3A_51] : memref<100x100xi32, #tpu.memory_space<vmem>> -> memref<1x100xi32, #tpu.memory_space<vmem>>
        %dma_start3A_53 = tpu.memref_squeeze %dma_start3A_52 : memref<1x100xi32, #tpu.memory_space<vmem>> -> memref<100xi32, #tpu.memory_space<vmem>>
        %dma_start3A_54 = arith.constant 0 : i32
        %dma_start3A_55 = arith.constant 0 : i32
        %dma_start3A_56 = tpu.memref_slice %arg2[%dma_start3A_54, %dma_start3A_55] : memref<10000x128xf32, #tpu.memory_space<hbm>> -> memref<10000x128xf32, #tpu.memory_space<hbm>>
        tpu.enqueue_indirect_dma source(%dma_start3A_56 : memref<10000x128xf32, #tpu.memory_space<hbm>>) target(%arg9 : memref<100x128xf32, #tpu.memory_space<vmem>>) offsets(%dma_start3A_53 : memref<100xi32, #tpu.memory_space<vmem>>) semaphore(%arg12 : memref<!tpu.dma_semaphore, #tpu.memory_space<semaphore_mem>>)
      } else {
      }
      %dma_wait3A_43 = arith.constant 0 : i32
      %dma_wait3A_44 = tpu.memref_slice %arg7[%add3A_27, %dma_wait3A_43] : memref<100x100xi32, #tpu.memory_space<vmem>> -> memref<1x100xi32, #tpu.memory_space<vmem>>
      %dma_wait3A_45 = tpu.memref_squeeze %dma_wait3A_44 : memref<1x100xi32, #tpu.memory_space<vmem>> -> memref<100xi32, #tpu.memory_space<vmem>>
      %dma_wait3A_46 = arith.constant 0 : i32
      %dma_wait3A_47 = arith.constant 0 : i32
      %dma_wait3A_48 = tpu.memref_slice %arg2[%dma_wait3A_46, %dma_wait3A_47] : memref<10000x128xf32, #tpu.memory_space<hbm>> -> memref<10000x128xf32, #tpu.memory_space<hbm>>
      tpu.wait_indirect_dma semaphore(%arg13 : memref<!tpu.dma_semaphore, #tpu.memory_space<semaphore_mem>>) src(%dma_wait3A_48 : memref<10000x128xf32, #tpu.memory_space<hbm>>) dst(%arg10 : memref<100x128xf32, #tpu.memory_space<vmem>>)
      "tpu.region"() ({
        %run_scoped3A = tpu.sem_alloc : memref<!tpu.dma_semaphore, #tpu.memory_space<semaphore_mem>>
        %dma_start3A_49 = arith.constant 0 : i32
        %dma_start3A_50 = tpu.memref_slice %arg8[%add3A_27, %dma_start3A_49] : memref<100x100xi32, #tpu.memory_space<vmem>> -> memref<1x100xi32, #tpu.memory_space<vmem>>
        %dma_start3A_51 = tpu.memref_squeeze %dma_start3A_50 : memref<1x100xi32, #tpu.memory_space<vmem>> -> memref<100xi32, #tpu.memory_space<vmem>>
        %dma_start3A_52 = arith.constant 0 : i32
        %dma_start3A_53 = arith.constant 0 : i32
        %dma_start3A_54 = tpu.memref_slice %arg11[%dma_start3A_52, %dma_start3A_53] : memref<10000x128xf32, #tpu.memory_space<vmem_shared>> -> memref<10000x128xf32, #tpu.memory_space<vmem_shared>>
        tpu.enqueue_indirect_dma source(%arg10 : memref<100x128xf32, #tpu.memory_space<vmem>>) target(%dma_start3A_54 : memref<10000x128xf32, #tpu.memory_space<vmem_shared>>) offsets(%dma_start3A_51 : memref<100xi32, #tpu.memory_space<vmem>>) semaphore(%run_scoped3A : memref<!tpu.dma_semaphore, #tpu.memory_space<semaphore_mem>>) {add = true}
        %dma_wait3A_55 = arith.constant 0 : i32
        %dma_wait3A_56 = tpu.memref_slice %arg8[%add3A_27, %dma_wait3A_55] : memref<100x100xi32, #tpu.memory_space<vmem>> -> memref<1x100xi32, #tpu.memory_space<vmem>>
        %dma_wait3A_57 = tpu.memref_squeeze %dma_wait3A_56 : memref<1x100xi32, #tpu.memory_space<vmem>> -> memref<100xi32, #tpu.memory_space<vmem>>
        %dma_wait3A_58 = arith.constant 0 : i32
        %dma_wait3A_59 = arith.constant 0 : i32
        %dma_wait3A_60 = tpu.memref_slice %arg11[%dma_wait3A_58, %dma_wait3A_59] : memref<10000x128xf32, #tpu.memory_space<vmem_shared>> -> memref<10000x128xf32, #tpu.memory_space<vmem_shared>>
        tpu.wait_indirect_dma semaphore(%run_scoped3A : memref<!tpu.dma_semaphore, #tpu.memory_space<semaphore_mem>>) src(%arg10 : memref<100x128xf32, #tpu.memory_space<vmem>>) dst(%dma_wait3A_60 : memref<10000x128xf32, #tpu.memory_space<vmem_shared>>)
        tpu.yield
      }) : () -> ()
    }
    %scan3A_15 = arith.constant 50 : i32
    %barrier3A_16 = arith.constant 0 : index
    tpu.barrier barrier_id(%barrier3A_16)
    %mul3A_17 = arith.constant 625 : i32
    %mul3A_18 = arith.muli %arg1, %mul3A_17 : i32
    %mul3A_19 = arith.constant 625 : i32
    %mul3A_20 = arith.muli %arg1, %mul3A_19 : i32
    "tpu.region"() ({
      %run_scoped3A = tpu.sem_alloc : memref<!tpu.dma_semaphore, #tpu.memory_space<semaphore_mem>>
      %dma_start3A_21 = arith.constant 0 : i32
      %dma_start3A_22 = arith.constant 0 : i32
      %dma_start3A_23 = tpu.memref_slice %arg6[%arg0, %dma_start3A_21, %dma_start3A_22] : memref<2x10000x128xf32, #tpu.memory_space<hbm>> -> memref<1x10000x128xf32, #tpu.memory_space<hbm>>
      %dma_start3A_24 = tpu.memref_squeeze %dma_start3A_23 : memref<1x10000x128xf32, #tpu.memory_space<hbm>> -> memref<10000x128xf32, #tpu.memory_space<hbm>>
      %dma_start3A_25 = arith.constant 0 : i32
      %dma_start3A_26 = tpu.memref_slice %dma_start3A_24[%mul3A_20, %dma_start3A_25] : memref<10000x128xf32, #tpu.memory_space<hbm>> -> memref<625x128xf32, #tpu.memory_space<hbm>>
      %dma_start3A_27 = arith.constant 0 : i32
      %dma_start3A_28 = tpu.memref_slice %arg11[%mul3A_18, %dma_start3A_27] : memref<10000x128xf32, #tpu.memory_space<vmem_shared>> -> memref<625x128xf32, #tpu.memory_space<vmem_shared>>
      tpu.enqueue_dma source(%dma_start3A_28 : memref<625x128xf32, #tpu.memory_space<vmem_shared>>) target(%dma_start3A_26 : memref<625x128xf32, #tpu.memory_space<hbm>>) target_semaphore(%run_scoped3A : memref<!tpu.dma_semaphore, #tpu.memory_space<semaphore_mem>>)
      %dma_wait3A = arith.constant 0 : i32
      %dma_wait3A_29 = arith.constant 0 : i32
      %dma_wait3A_30 = tpu.memref_slice %arg6[%arg0, %dma_wait3A, %dma_wait3A_29] : memref<2x10000x128xf32, #tpu.memory_space<hbm>> -> memref<1x10000x128xf32, #tpu.memory_space<hbm>>
      %dma_wait3A_31 = tpu.memref_squeeze %dma_wait3A_30 : memref<1x10000x128xf32, #tpu.memory_space<hbm>> -> memref<10000x128xf32, #tpu.memory_space<hbm>>
      %dma_wait3A_32 = arith.constant 0 : i32
      %dma_wait3A_33 = tpu.memref_slice %dma_wait3A_31[%mul3A_20, %dma_wait3A_32] : memref<10000x128xf32, #tpu.memory_space<hbm>> -> memref<625x128xf32, #tpu.memory_space<hbm>>
      %dma_wait3A_34 = arith.constant 0 : i32
      %dma_wait3A_35 = tpu.memref_slice %arg11[%mul3A_18, %dma_wait3A_34] : memref<10000x128xf32, #tpu.memory_space<vmem_shared>> -> memref<625x128xf32, #tpu.memory_space<vmem_shared>>
      tpu.wait_dma2 semaphore(%run_scoped3A : memref<!tpu.dma_semaphore, #tpu.memory_space<semaphore_mem>>) src(%dma_wait3A_35 : memref<625x128xf32, #tpu.memory_space<vmem_shared>>) dst(%dma_wait3A_33 : memref<625x128xf32, #tpu.memory_space<hbm>>)
      tpu.yield
    }) : () -> ()
    return
  }
}

#map = affine_map<(d0, d1) -> (0, 0)>
#map1 = affine_map<(d0, d1) -> (0, 0, 0)>
module attributes {stable_mosaic.version = 14 : i64} {
  func.func @scatter_kernel(%arg0: i32, %arg1: i32, %arg2: memref<10000x128xf32, #tpu.memory_space<hbm>>, %arg3: memref<32x100x100xi32, #tpu.memory_space<hbm>>, %arg4: memref<32x100x100xi32, #tpu.memory_space<hbm>>, %arg5: memref<10000x128xf32, #tpu.memory_space<hbm>>, %arg6: memref<2x10000x128xf32, #tpu.memory_space<hbm>>, %arg7: memref<100x100xi32, #tpu.memory_space<vmem>>, %arg8: memref<100x100xi32, #tpu.memory_space<vmem>>, %arg9: memref<100x128xf32, #tpu.memory_space<vmem>>, %arg10: memref<100x128xf32, #tpu.memory_space<vmem>>, %arg11: memref<10000x128xf32, #tpu.memory_space<vmem_shared>>, %arg12: memref<!tpu.dma_semaphore, #tpu.memory_space<semaphore_mem>>, %arg13: memref<!tpu.dma_semaphore, #tpu.memory_space<semaphore_mem>>) attributes {dimension_semantics = [#tpu.dimension_semantics<core_parallel>, #tpu.dimension_semantics<subcore_parallel>], iteration_bounds = array<i64: 2, 16>, scalar_prefetch = 0 : i64, scratch_operands = 7 : i64, tpu.core_type = #tpu.core_type<sc_vector_subcore>, window_params = [{transform_indices = #map}, {transform_indices = #map1}, {transform_indices = #map1}, {transform_indices = #map}, {transform_indices = #map1}]} {
    %mul3A = arith.constant 16 : i32
    %mul3A_0 = arith.muli %arg0, %mul3A : i32
    %add3A = arith.addi %mul3A_0, %arg1 : i32
    "tpu.region"() ({
      %run_scoped3A = tpu.sem_alloc : memref<!tpu.dma_semaphore, #tpu.memory_space<semaphore_mem>>
      %dma_start3A_21 = arith.constant 0 : i32
      %dma_start3A_22 = arith.constant 0 : i32
      %dma_start3A_23 = tpu.memref_slice %arg3[%add3A, %dma_start3A_21, %dma_start3A_22] : memref<32x100x100xi32, #tpu.memory_space<hbm>> -> memref<1x100x100xi32, #tpu.memory_space<hbm>>
      %dma_start3A_24 = tpu.memref_squeeze %dma_start3A_23 : memref<1x100x100xi32, #tpu.memory_space<hbm>> -> memref<100x100xi32, #tpu.memory_space<hbm>>
      %dma_start3A_25 = arith.constant 0 : i32
      %dma_start3A_26 = arith.constant 0 : i32
      %dma_start3A_27 = tpu.memref_slice %arg3[%add3A, %dma_start3A_25, %dma_start3A_26] : memref<32x100x100xi32, #tpu.memory_space<hbm>> -> memref<1x100x100xi32, #tpu.memory_space<hbm>>
      %dma_start3A_28 = tpu.memref_squeeze %dma_start3A_27 : memref<1x100x100xi32, #tpu.memory_space<hbm>> -> memref<100x100xi32, #tpu.memory_space<hbm>>
      tpu.enqueue_dma source(%dma_start3A_28 : memref<100x100xi32, #tpu.memory_space<hbm>>) target(%arg7 : memref<100x100xi32, #tpu.memory_space<vmem>>) target_semaphore(%run_scoped3A : memref<!tpu.dma_semaphore, #tpu.memory_space<semaphore_mem>>)
      %dma_wait3A = arith.constant 0 : i32
      %dma_wait3A_29 = arith.constant 0 : i32
      %dma_wait3A_30 = tpu.memref_slice %arg3[%add3A, %dma_wait3A, %dma_wait3A_29] : memref<32x100x100xi32, #tpu.memory_space<hbm>> -> memref<1x100x100xi32, #tpu.memory_space<hbm>>
      %dma_wait3A_31 = tpu.memref_squeeze %dma_wait3A_30 : memref<1x100x100xi32, #tpu.memory_space<hbm>> -> memref<100x100xi32, #tpu.memory_space<hbm>>
      %dma_wait3A_32 = arith.constant 0 : i32
      %dma_wait3A_33 = arith.constant 0 : i32
      %dma_wait3A_34 = tpu.memref_slice %arg3[%add3A, %dma_wait3A_32, %dma_wait3A_33] : memref<32x100x100xi32, #tpu.memory_space<hbm>> -> memref<1x100x100xi32, #tpu.memory_space<hbm>>
      %dma_wait3A_35 = tpu.memref_squeeze %dma_wait3A_34 : memref<1x100x100xi32, #tpu.memory_space<hbm>> -> memref<100x100xi32, #tpu.memory_space<hbm>>
      tpu.wait_dma2 semaphore(%run_scoped3A : memref<!tpu.dma_semaphore, #tpu.memory_space<semaphore_mem>>) src(%dma_wait3A_35 : memref<100x100xi32, #tpu.memory_space<hbm>>) dst(%arg7 : memref<100x100xi32, #tpu.memory_space<vmem>>)
      tpu.yield
    }) : () -> ()
    "tpu.region"() ({
      %run_scoped3A = tpu.sem_alloc : memref<!tpu.dma_semaphore, #tpu.memory_space<semaphore_mem>>
      %dma_start3A_21 = arith.constant 0 : i32
      %dma_start3A_22 = arith.constant 0 : i32
      %dma_start3A_23 = tpu.memref_slice %arg4[%add3A, %dma_start3A_21, %dma_start3A_22] : memref<32x100x100xi32, #tpu.memory_space<hbm>> -> memref<1x100x100xi32, #tpu.memory_space<hbm>>
      %dma_start3A_24 = tpu.memref_squeeze %dma_start3A_23 : memref<1x100x100xi32, #tpu.memory_space<hbm>> -> memref<100x100xi32, #tpu.memory_space<hbm>>
      %dma_start3A_25 = arith.constant 0 : i32
      %dma_start3A_26 = arith.constant 0 : i32
      %dma_start3A_27 = tpu.memref_slice %arg4[%add3A, %dma_start3A_25, %dma_start3A_26] : memref<32x100x100xi32, #tpu.memory_space<hbm>> -> memref<1x100x100xi32, #tpu.memory_space<hbm>>
      %dma_start3A_28 = tpu.memref_squeeze %dma_start3A_27 : memref<1x100x100xi32, #tpu.memory_space<hbm>> -> memref<100x100xi32, #tpu.memory_space<hbm>>
      tpu.enqueue_dma source(%dma_start3A_28 : memref<100x100xi32, #tpu.memory_space<hbm>>) target(%arg8 : memref<100x100xi32, #tpu.memory_space<vmem>>) target_semaphore(%run_scoped3A : memref<!tpu.dma_semaphore, #tpu.memory_space<semaphore_mem>>)
      %dma_wait3A = arith.constant 0 : i32
      %dma_wait3A_29 = arith.constant 0 : i32
      %dma_wait3A_30 = tpu.memref_slice %arg4[%add3A, %dma_wait3A, %dma_wait3A_29] : memref<32x100x100xi32, #tpu.memory_space<hbm>> -> memref<1x100x100xi32, #tpu.memory_space<hbm>>
      %dma_wait3A_31 = tpu.memref_squeeze %dma_wait3A_30 : memref<1x100x100xi32, #tpu.memory_space<hbm>> -> memref<100x100xi32, #tpu.memory_space<hbm>>
      %dma_wait3A_32 = arith.constant 0 : i32
      %dma_wait3A_33 = arith.constant 0 : i32
      %dma_wait3A_34 = tpu.memref_slice %arg4[%add3A, %dma_wait3A_32, %dma_wait3A_33] : memref<32x100x100xi32, #tpu.memory_space<hbm>> -> memref<1x100x100xi32, #tpu.memory_space<hbm>>
      %dma_wait3A_35 = tpu.memref_squeeze %dma_wait3A_34 : memref<1x100x100xi32, #tpu.memory_space<hbm>> -> memref<100x100xi32, #tpu.memory_space<hbm>>
      tpu.wait_dma2 semaphore(%run_scoped3A : memref<!tpu.dma_semaphore, #tpu.memory_space<semaphore_mem>>) src(%dma_wait3A_35 : memref<100x100xi32, #tpu.memory_space<hbm>>) dst(%arg8 : memref<100x100xi32, #tpu.memory_space<vmem>>)
      tpu.yield
    }) : () -> ()
    %dma_start3A = arith.constant 0 : i32
    %dma_start3A_1 = arith.constant 0 : i32
    %dma_start3A_2 = tpu.memref_slice %arg7[%dma_start3A, %dma_start3A_1] : memref<100x100xi32, #tpu.memory_space<vmem>> -> memref<1x100xi32, #tpu.memory_space<vmem>>
    %dma_start3A_3 = tpu.memref_squeeze %dma_start3A_2 : memref<1x100xi32, #tpu.memory_space<vmem>> -> memref<100xi32, #tpu.memory_space<vmem>>
    %dma_start3A_4 = arith.constant 0 : i32
    %dma_start3A_5 = arith.constant 0 : i32
    %dma_start3A_6 = tpu.memref_slice %arg2[%dma_start3A_4, %dma_start3A_5] : memref<10000x128xf32, #tpu.memory_space<hbm>> -> memref<10000x128xf32, #tpu.memory_space<hbm>>
    tpu.enqueue_indirect_dma source(%dma_start3A_6 : memref<10000x128xf32, #tpu.memory_space<hbm>>) target(%arg9 : memref<100x128xf32, #tpu.memory_space<vmem>>) offsets(%dma_start3A_3 : memref<100xi32, #tpu.memory_space<vmem>>) semaphore(%arg12 : memref<!tpu.dma_semaphore, #tpu.memory_space<semaphore_mem>>)
    %mul3A_7 = arith.constant 625 : i32
    %mul3A_8 = arith.muli %arg1, %mul3A_7 : i32
    %mul3A_9 = arith.constant 625 : i32
    %mul3A_10 = arith.muli %arg1, %mul3A_9 : i32
    "tpu.region"() ({
      %run_scoped3A = tpu.sem_alloc : memref<!tpu.dma_semaphore, #tpu.memory_space<semaphore_mem>>
      %dma_start3A_21 = arith.constant 0 : i32
      %dma_start3A_22 = tpu.memref_slice %arg11[%mul3A_10, %dma_start3A_21] : memref<10000x128xf32, #tpu.memory_space<vmem_shared>> -> memref<625x128xf32, #tpu.memory_space<vmem_shared>>
      %dma_start3A_23 = arith.constant 0 : i32
      %dma_start3A_24 = tpu.memref_slice %arg5[%mul3A_8, %dma_start3A_23] : memref<10000x128xf32, #tpu.memory_space<hbm>> -> memref<625x128xf32, #tpu.memory_space<hbm>>
      tpu.enqueue_dma source(%dma_start3A_24 : memref<625x128xf32, #tpu.memory_space<hbm>>) target(%dma_start3A_22 : memref<625x128xf32, #tpu.memory_space<vmem_shared>>) target_semaphore(%run_scoped3A : memref<!tpu.dma_semaphore, #tpu.memory_space<semaphore_mem>>)
      %dma_wait3A = arith.constant 0 : i32
      %dma_wait3A_25 = tpu.memref_slice %arg11[%mul3A_10, %dma_wait3A] : memref<10000x128xf32, #tpu.memory_space<vmem_shared>> -> memref<625x128xf32, #tpu.memory_space<vmem_shared>>
      %dma_wait3A_26 = arith.constant 0 : i32
      %dma_wait3A_27 = tpu.memref_slice %arg5[%mul3A_8, %dma_wait3A_26] : memref<10000x128xf32, #tpu.memory_space<hbm>> -> memref<625x128xf32, #tpu.memory_space<hbm>>
      tpu.wait_dma2 semaphore(%run_scoped3A : memref<!tpu.dma_semaphore, #tpu.memory_space<semaphore_mem>>) src(%dma_wait3A_27 : memref<625x128xf32, #tpu.memory_space<hbm>>) dst(%dma_wait3A_25 : memref<625x128xf32, #tpu.memory_space<vmem_shared>>)
      tpu.yield
    }) : () -> ()
    %barrier3A = arith.constant 0 : index
    tpu.barrier barrier_id(%barrier3A)
    %scan3A = arith.constant 0 : i32
    %scan3A_11 = arith.constant 0 : i32
    %scan3A_12 = arith.constant 50 : i32
    %scan3A_13 = arith.addi %scan3A_11, %scan3A_12 : i32
    %scan3A_14 = arith.constant 1 : i32
    scf.for %scan3A_21 = %scan3A_11 to %scan3A_13 step %scan3A_14  : i32 {
      %mul3A_22 = arith.constant 2 : i32
      %mul3A_23 = arith.muli %mul3A_22, %scan3A_21 : i32
      %mul3A_24 = arith.constant 2 : i32
      %mul3A_25 = arith.muli %mul3A_24, %scan3A_21 : i32
      %add3A_26 = arith.constant 1 : i32
      %add3A_27 = arith.addi %mul3A_25, %add3A_26 : i32
      %dma_start3A_28 = arith.constant 0 : i32
      %dma_start3A_29 = tpu.memref_slice %arg7[%add3A_27, %dma_start3A_28] : memref<100x100xi32, #tpu.memory_space<vmem>> -> memref<1x100xi32, #tpu.memory_space<vmem>>
      %dma_start3A_30 = tpu.memref_squeeze %dma_start3A_29 : memref<1x100xi32, #tpu.memory_space<vmem>> -> memref<100xi32, #tpu.memory_space<vmem>>
      %dma_start3A_31 = arith.constant 0 : i32
      %dma_start3A_32 = arith.constant 0 : i32
      %dma_start3A_33 = tpu.memref_slice %arg2[%dma_start3A_31, %dma_start3A_32] : memref<10000x128xf32, #tpu.memory_space<hbm>> -> memref<10000x128xf32, #tpu.memory_space<hbm>>
      tpu.enqueue_indirect_dma source(%dma_start3A_33 : memref<10000x128xf32, #tpu.memory_space<hbm>>) target(%arg10 : memref<100x128xf32, #tpu.memory_space<vmem>>) offsets(%dma_start3A_30 : memref<100xi32, #tpu.memory_space<vmem>>) semaphore(%arg13 : memref<!tpu.dma_semaphore, #tpu.memory_space<semaphore_mem>>)
      %dma_wait3A = arith.constant 0 : i32
      %dma_wait3A_34 = tpu.memref_slice %arg7[%mul3A_23, %dma_wait3A] : memref<100x100xi32, #tpu.memory_space<vmem>> -> memref<1x100xi32, #tpu.memory_space<vmem>>
      %dma_wait3A_35 = tpu.memref_squeeze %dma_wait3A_34 : memref<1x100xi32, #tpu.memory_space<vmem>> -> memref<100xi32, #tpu.memory_space<vmem>>
      %dma_wait3A_36 = arith.constant 0 : i32
      %dma_wait3A_37 = arith.constant 0 : i32
      %dma_wait3A_38 = tpu.memref_slice %arg2[%dma_wait3A_36, %dma_wait3A_37] : memref<10000x128xf32, #tpu.memory_space<hbm>> -> memref<10000x128xf32, #tpu.memory_space<hbm>>
      tpu.wait_indirect_dma semaphore(%arg12 : memref<!tpu.dma_semaphore, #tpu.memory_space<semaphore_mem>>) src(%dma_wait3A_38 : memref<10000x128xf32, #tpu.memory_space<hbm>>) dst(%arg9 : memref<100x128xf32, #tpu.memory_space<vmem>>)
      "tpu.region"() ({
        %run_scoped3A = tpu.sem_alloc : memref<!tpu.dma_semaphore, #tpu.memory_space<semaphore_mem>>
        %dma_start3A_49 = arith.constant 0 : i32
        %dma_start3A_50 = tpu.memref_slice %arg8[%mul3A_23, %dma_start3A_49] : memref<100x100xi32, #tpu.memory_space<vmem>> -> memref<1x100xi32, #tpu.memory_space<vmem>>
        %dma_start3A_51 = tpu.memref_squeeze %dma_start3A_50 : memref<1x100xi32, #tpu.memory_space<vmem>> -> memref<100xi32, #tpu.memory_space<vmem>>
        %dma_start3A_52 = arith.constant 0 : i32
        %dma_start3A_53 = arith.constant 0 : i32
        %dma_start3A_54 = tpu.memref_slice %arg11[%dma_start3A_52, %dma_start3A_53] : memref<10000x128xf32, #tpu.memory_space<vmem_shared>> -> memref<10000x128xf32, #tpu.memory_space<vmem_shared>>
        tpu.enqueue_indirect_dma source(%arg9 : memref<100x128xf32, #tpu.memory_space<vmem>>) target(%dma_start3A_54 : memref<10000x128xf32, #tpu.memory_space<vmem_shared>>) offsets(%dma_start3A_51 : memref<100xi32, #tpu.memory_space<vmem>>) semaphore(%run_scoped3A : memref<!tpu.dma_semaphore, #tpu.memory_space<semaphore_mem>>) {add = true}
        %dma_wait3A_55 = arith.constant 0 : i32
        %dma_wait3A_56 = tpu.memref_slice %arg8[%mul3A_23, %dma_wait3A_55] : memref<100x100xi32, #tpu.memory_space<vmem>> -> memref<1x100xi32, #tpu.memory_space<vmem>>
        %dma_wait3A_57 = tpu.memref_squeeze %dma_wait3A_56 : memref<1x100xi32, #tpu.memory_space<vmem>> -> memref<100xi32, #tpu.memory_space<vmem>>
        %dma_wait3A_58 = arith.constant 0 : i32
        %dma_wait3A_59 = arith.constant 0 : i32
        %dma_wait3A_60 = tpu.memref_slice %arg11[%dma_wait3A_58, %dma_wait3A_59] : memref<10000x128xf32, #tpu.memory_space<vmem_shared>> -> memref<10000x128xf32, #tpu.memory_space<vmem_shared>>
        tpu.wait_indirect_dma semaphore(%run_scoped3A : memref<!tpu.dma_semaphore, #tpu.memory_space<semaphore_mem>>) src(%arg9 : memref<100x128xf32, #tpu.memory_space<vmem>>) dst(%dma_wait3A_60 : memref<10000x128xf32, #tpu.memory_space<vmem_shared>>)
        tpu.yield
      }) : () -> ()
      %add3A_39 = arith.constant 2 : i32
      %add3A_40 = arith.addi %mul3A_23, %add3A_39 : i32
      %lt3A = arith.constant 100 : i32
      %lt3A_41 = arith.cmpi slt, %add3A_40, %lt3A : i32
      %convert_element_type3A = arith.extui %lt3A_41 : i1 to i32
      %cond3A = arith.constant 0 : i32
      %cond3A_42 = arith.cmpi ne, %convert_element_type3A, %cond3A : i32
      scf.if %cond3A_42 {
        %add3A_49 = arith.constant 2 : i32
        %add3A_50 = arith.addi %mul3A_23, %add3A_49 : i32
        %dma_start3A_51 = arith.constant 0 : i32
        %dma_start3A_52 = tpu.memref_slice %arg7[%add3A_50, %dma_start3A_51] : memref<100x100xi32, #tpu.memory_space<vmem>> -> memref<1x100xi32, #tpu.memory_space<vmem>>
        %dma_start3A_53 = tpu.memref_squeeze %dma_start3A_52 : memref<1x100xi32, #tpu.memory_space<vmem>> -> memref<100xi32, #tpu.memory_space<vmem>>
        %dma_start3A_54 = arith.constant 0 : i32
        %dma_start3A_55 = arith.constant 0 : i32
        %dma_start3A_56 = tpu.memref_slice %arg2[%dma_start3A_54, %dma_start3A_55] : memref<10000x128xf32, #tpu.memory_space<hbm>> -> memref<10000x128xf32, #tpu.memory_space<hbm>>
        tpu.enqueue_indirect_dma source(%dma_start3A_56 : memref<10000x128xf32, #tpu.memory_space<hbm>>) target(%arg9 : memref<100x128xf32, #tpu.memory_space<vmem>>) offsets(%dma_start3A_53 : memref<100xi32, #tpu.memory_space<vmem>>) semaphore(%arg12 : memref<!tpu.dma_semaphore, #tpu.memory_space<semaphore_mem>>)
      } else {
      }
      %dma_wait3A_43 = arith.constant 0 : i32
      %dma_wait3A_44 = tpu.memref_slice %arg7[%add3A_27, %dma_wait3A_43] : memref<100x100xi32, #tpu.memory_space<vmem>> -> memref<1x100xi32, #tpu.memory_space<vmem>>
      %dma_wait3A_45 = tpu.memref_squeeze %dma_wait3A_44 : memref<1x100xi32, #tpu.memory_space<vmem>> -> memref<100xi32, #tpu.memory_space<vmem>>
      %dma_wait3A_46 = arith.constant 0 : i32
      %dma_wait3A_47 = arith.constant 0 : i32
      %dma_wait3A_48 = tpu.memref_slice %arg2[%dma_wait3A_46, %dma_wait3A_47] : memref<10000x128xf32, #tpu.memory_space<hbm>> -> memref<10000x128xf32, #tpu.memory_space<hbm>>
      tpu.wait_indirect_dma semaphore(%arg13 : memref<!tpu.dma_semaphore, #tpu.memory_space<semaphore_mem>>) src(%dma_wait3A_48 : memref<10000x128xf32, #tpu.memory_space<hbm>>) dst(%arg10 : memref<100x128xf32, #tpu.memory_space<vmem>>)
      "tpu.region"() ({
        %run_scoped3A = tpu.sem_alloc : memref<!tpu.dma_semaphore, #tpu.memory_space<semaphore_mem>>
        %dma_start3A_49 = arith.constant 0 : i32
        %dma_start3A_50 = tpu.memref_slice %arg8[%add3A_27, %dma_start3A_49] : memref<100x100xi32, #tpu.memory_space<vmem>> -> memref<1x100xi32, #tpu.memory_space<vmem>>
        %dma_start3A_51 = tpu.memref_squeeze %dma_start3A_50 : memref<1x100xi32, #tpu.memory_space<vmem>> -> memref<100xi32, #tpu.memory_space<vmem>>
        %dma_start3A_52 = arith.constant 0 : i32
        %dma_start3A_53 = arith.constant 0 : i32
        %dma_start3A_54 = tpu.memref_slice %arg11[%dma_start3A_52, %dma_start3A_53] : memref<10000x128xf32, #tpu.memory_space<vmem_shared>> -> memref<10000x128xf32, #tpu.memory_space<vmem_shared>>
        tpu.enqueue_indirect_dma source(%arg10 : memref<100x128xf32, #tpu.memory_space<vmem>>) target(%dma_start3A_54 : memref<10000x128xf32, #tpu.memory_space<vmem_shared>>) offsets(%dma_start3A_51 : memref<100xi32, #tpu.memory_space<vmem>>) semaphore(%run_scoped3A : memref<!tpu.dma_semaphore, #tpu.memory_space<semaphore_mem>>) {add = true}
        %dma_wait3A_55 = arith.constant 0 : i32
        %dma_wait3A_56 = tpu.memref_slice %arg8[%add3A_27, %dma_wait3A_55] : memref<100x100xi32, #tpu.memory_space<vmem>> -> memref<1x100xi32, #tpu.memory_space<vmem>>
        %dma_wait3A_57 = tpu.memref_squeeze %dma_wait3A_56 : memref<1x100xi32, #tpu.memory_space<vmem>> -> memref<100xi32, #tpu.memory_space<vmem>>
        %dma_wait3A_58 = arith.constant 0 : i32
        %dma_wait3A_59 = arith.constant 0 : i32
        %dma_wait3A_60 = tpu.memref_slice %arg11[%dma_wait3A_58, %dma_wait3A_59] : memref<10000x128xf32, #tpu.memory_space<vmem_shared>> -> memref<10000x128xf32, #tpu.memory_space<vmem_shared>>
        tpu.wait_indirect_dma semaphore(%run_scoped3A : memref<!tpu.dma_semaphore, #tpu.memory_space<semaphore_mem>>) src(%arg10 : memref<100x128xf32, #tpu.memory_space<vmem>>) dst(%dma_wait3A_60 : memref<10000x128xf32, #tpu.memory_space<vmem_shared>>)
        tpu.yield
      }) : () -> ()
    }
    %scan3A_15 = arith.constant 50 : i32
    %barrier3A_16 = arith.constant 0 : index
    tpu.barrier barrier_id(%barrier3A_16)
    %mul3A_17 = arith.constant 625 : i32
    %mul3A_18 = arith.muli %arg1, %mul3A_17 : i32
    %mul3A_19 = arith.constant 625 : i32
    %mul3A_20 = arith.muli %arg1, %mul3A_19 : i32
    "tpu.region"() ({
      %run_scoped3A = tpu.sem_alloc : memref<!tpu.dma_semaphore, #tpu.memory_space<semaphore_mem>>
      %dma_start3A_21 = arith.constant 0 : i32
      %dma_start3A_22 = arith.constant 0 : i32
      %dma_start3A_23 = tpu.memref_slice %arg6[%arg0, %dma_start3A_21, %dma_start3A_22] : memref<2x10000x128xf32, #tpu.memory_space<hbm>> -> memref<1x10000x128xf32, #tpu.memory_space<hbm>>
      %dma_start3A_24 = tpu.memref_squeeze %dma_start3A_23 : memref<1x10000x128xf32, #tpu.memory_space<hbm>> -> memref<10000x128xf32, #tpu.memory_space<hbm>>
      %dma_start3A_25 = arith.constant 0 : i32
      %dma_start3A_26 = tpu.memref_slice %dma_start3A_24[%mul3A_20, %dma_start3A_25] : memref<10000x128xf32, #tpu.memory_space<hbm>> -> memref<625x128xf32, #tpu.memory_space<hbm>>
      %dma_start3A_27 = arith.constant 0 : i32
      %dma_start3A_28 = tpu.memref_slice %arg11[%mul3A_18, %dma_start3A_27] : memref<10000x128xf32, #tpu.memory_space<vmem_shared>> -> memref<625x128xf32, #tpu.memory_space<vmem_shared>>
      tpu.enqueue_dma source(%dma_start3A_28 : memref<625x128xf32, #tpu.memory_space<vmem_shared>>) target(%dma_start3A_26 : memref<625x128xf32, #tpu.memory_space<hbm>>) target_semaphore(%run_scoped3A : memref<!tpu.dma_semaphore, #tpu.memory_space<semaphore_mem>>)
      %dma_wait3A = arith.constant 0 : i32
      %dma_wait3A_29 = arith.constant 0 : i32
      %dma_wait3A_30 = tpu.memref_slice %arg6[%arg0, %dma_wait3A, %dma_wait3A_29] : memref<2x10000x128xf32, #tpu.memory_space<hbm>> -> memref<1x10000x128xf32, #tpu.memory_space<hbm>>
      %dma_wait3A_31 = tpu.memref_squeeze %dma_wait3A_30 : memref<1x10000x128xf32, #tpu.memory_space<hbm>> -> memref<10000x128xf32, #tpu.memory_space<hbm>>
      %dma_wait3A_32 = arith.constant 0 : i32
      %dma_wait3A_33 = tpu.memref_slice %dma_wait3A_31[%mul3A_20, %dma_wait3A_32] : memref<10000x128xf32, #tpu.memory_space<hbm>> -> memref<625x128xf32, #tpu.memory_space<hbm>>
      %dma_wait3A_34 = arith.constant 0 : i32
      %dma_wait3A_35 = tpu.memref_slice %arg11[%mul3A_18, %dma_wait3A_34] : memref<10000x128xf32, #tpu.memory_space<vmem_shared>> -> memref<625x128xf32, #tpu.memory_space<vmem_shared>>
      tpu.wait_dma2 semaphore(%run_scoped3A : memref<!tpu.dma_semaphore, #tpu.memory_space<semaphore_mem>>) src(%dma_wait3A_35 : memref<625x128xf32, #tpu.memory_space<vmem_shared>>) dst(%dma_wait3A_33 : memref<625x128xf32, #tpu.memory_space<hbm>>)
      tpu.yield
    }) : () -> ()
    return
  }
}

module attributes {stable_mosaic.version = 14 : i64} {
  func.func @body(%arg0: memref<10000x128xf32, #tpu.memory_space<vmem>>, %arg1: memref<128x128xf32, #tpu.memory_space<vmem>>, %arg2: memref<2x10000x16xf32, #tpu.memory_space<vmem>>, %arg3: memref<10000x128xf32, #tpu.memory_space<vmem>>, %arg4: memref<10000x1xf32, #tpu.memory_space<vmem>>) attributes {dimension_semantics = [], scalar_prefetch = 0 : i64, scratch_operands = 0 : i64, tpu.core_type = #tpu.core_type<tc>} {
    %get3A = arith.constant 0 : index
    %get3A_0 = arith.constant 0 : index
    %get3A_1 = arith.constant 0 : index
    %get3A_2 = vector.load %arg2[%get3A, %get3A_0, %get3A_1] : memref<2x10000x16xf32, #tpu.memory_space<vmem>>, vector<1x10000x1xf32>
    %get3A_3 = vector.shape_cast %get3A_2 : vector<1x10000x1xf32> to vector<10000x1xf32>
    %get3A_4 = arith.constant 1 : index
    %get3A_5 = arith.constant 0 : index
    %get3A_6 = arith.constant 0 : index
    %get3A_7 = vector.load %arg2[%get3A_4, %get3A_5, %get3A_6] : memref<2x10000x16xf32, #tpu.memory_space<vmem>>, vector<1x10000x1xf32>
    %get3A_8 = vector.shape_cast %get3A_7 : vector<1x10000x1xf32> to vector<10000x1xf32>
    %add3A = arith.addf %get3A_3, %get3A_8 : vector<10000x1xf32>
    %add3A_9 = arith.constant 1.000000e+00 : f32
    %add3A_10 = vector.broadcast %add3A_9 : f32 to vector<10000x1xf32>
    %add3A_11 = arith.addf %add3A, %add3A_10 : vector<10000x1xf32>
    %rsqrt3A = math.rsqrt %add3A_11 : vector<10000x1xf32>
    %get3A_12 = arith.constant 0 : index
    %get3A_13 = arith.constant 0 : index
    %get3A_14 = vector.load %arg0[%get3A_12, %get3A_13] : memref<10000x128xf32, #tpu.memory_space<vmem>>, vector<10000x128xf32>
    %get3A_15 = arith.constant 0 : index
    %get3A_16 = arith.constant 0 : index
    %get3A_17 = vector.load %arg1[%get3A_15, %get3A_16] : memref<128x128xf32, #tpu.memory_space<vmem>>, vector<128x128xf32>
    %dot_general3A = arith.constant dense<0.000000e+00> : vector<10000x128xf32>
    %dot_general3A_18 = tpu.matmul %get3A_14, %get3A_17, %dot_general3A {dimension_numbers = #tpu.dot_dimension_numbers<[1], [0], [0], [1], [0, 0, 1, 1], [], []>, transpose_lhs_hint = false} : vector<10000x128xf32>, vector<128x128xf32>, vector<10000x128xf32> -> vector<10000x128xf32>
    %mul3A = vector.broadcast %rsqrt3A : vector<10000x1xf32> to vector<10000x128xf32>
    %mul3A_19 = arith.mulf %mul3A, %dot_general3A_18 : vector<10000x128xf32>
    %swap3A = arith.constant 0 : index
    %swap3A_20 = arith.constant 0 : index
    %swap3A_21 = vector.load %arg3[%swap3A, %swap3A_20] : memref<10000x128xf32, #tpu.memory_space<vmem>>, vector<10000x128xf32>
    tpu.vector_store %arg3[%swap3A, %swap3A_20], %mul3A_19 {strides = array<i32>} : memref<10000x128xf32, #tpu.memory_space<vmem>>, vector<10000x128xf32>,
    %swap3A_22 = arith.constant 0 : index
    %swap3A_23 = arith.constant 0 : index
    %swap3A_24 = vector.load %arg4[%swap3A_22, %swap3A_23] : memref<10000x1xf32, #tpu.memory_space<vmem>>, vector<10000x1xf32>
    tpu.vector_store %arg4[%swap3A_22, %swap3A_23], %rsqrt3A {strides = array<i32>} : memref<10000x1xf32, #tpu.memory_space<vmem>>, vector<10000x1xf32>,
    return
  }
}

module attributes {stable_mosaic.version = 14 : i64} {
  func.func @body(%arg0: memref<2x10000x128xf32, #tpu.memory_space<vmem>>, %arg1: memref<10000x128xf32, #tpu.memory_space<vmem>>, %arg2: memref<10000x1xf32, #tpu.memory_space<vmem>>, %arg3: memref<1x128xf32, #tpu.memory_space<vmem>>, %arg4: memref<128x128xf32, #tpu.memory_space<vmem>>, %arg5: memref<10000x128xf32, #tpu.memory_space<vmem>>) attributes {dimension_semantics = [], scalar_prefetch = 0 : i64, scratch_operands = 0 : i64, tpu.core_type = #tpu.core_type<tc>} {
    %get3A = arith.constant 0 : index
    %get3A_0 = arith.constant 0 : index
    %get3A_1 = arith.constant 0 : index
    %get3A_2 = vector.load %arg0[%get3A, %get3A_0, %get3A_1] : memref<2x10000x128xf32, #tpu.memory_space<vmem>>, vector<1x10000x128xf32>
    %get3A_3 = vector.shape_cast %get3A_2 : vector<1x10000x128xf32> to vector<10000x128xf32>
    %get3A_4 = arith.constant 1 : index
    %get3A_5 = arith.constant 0 : index
    %get3A_6 = arith.constant 0 : index
    %get3A_7 = vector.load %arg0[%get3A_4, %get3A_5, %get3A_6] : memref<2x10000x128xf32, #tpu.memory_space<vmem>>, vector<1x10000x128xf32>
    %get3A_8 = vector.shape_cast %get3A_7 : vector<1x10000x128xf32> to vector<10000x128xf32>
    %add3A = arith.addf %get3A_3, %get3A_8 : vector<10000x128xf32>
    %get3A_9 = arith.constant 0 : index
    %get3A_10 = arith.constant 0 : index
    %get3A_11 = vector.load %arg1[%get3A_9, %get3A_10] : memref<10000x128xf32, #tpu.memory_space<vmem>>, vector<10000x128xf32>
    %add3A_12 = arith.addf %add3A, %get3A_11 : vector<10000x128xf32>
    %get3A_13 = arith.constant 0 : index
    %get3A_14 = arith.constant 0 : index
    %get3A_15 = vector.load %arg2[%get3A_13, %get3A_14] : memref<10000x1xf32, #tpu.memory_space<vmem>>, vector<10000x1xf32>
    %mul3A = vector.broadcast %get3A_15 : vector<10000x1xf32> to vector<10000x128xf32>
    %mul3A_16 = arith.mulf %mul3A, %add3A_12 : vector<10000x128xf32>
    %get3A_17 = arith.constant 0 : index
    %get3A_18 = arith.constant 0 : index
    %get3A_19 = vector.load %arg3[%get3A_17, %get3A_18] : memref<1x128xf32, #tpu.memory_space<vmem>>, vector<1x128xf32>
    %add3A_20 = vector.broadcast %get3A_19 : vector<1x128xf32> to vector<10000x128xf32>
    %add3A_21 = arith.addf %mul3A_16, %add3A_20 : vector<10000x128xf32>
    %max3A = arith.constant 0.000000e+00 : f32
    %max3A_22 = vector.broadcast %max3A : f32 to vector<10000x128xf32>
    %max3A_23 = arith.maximumf %add3A_21, %max3A_22 : vector<10000x128xf32>
    %get3A_24 = arith.constant 0 : index
    %get3A_25 = arith.constant 0 : index
    %get3A_26 = vector.load %arg2[%get3A_24, %get3A_25] : memref<10000x1xf32, #tpu.memory_space<vmem>>, vector<10000x1xf32>
    %get3A_27 = arith.constant 0 : index
    %get3A_28 = arith.constant 0 : index
    %get3A_29 = vector.load %arg4[%get3A_27, %get3A_28] : memref<128x128xf32, #tpu.memory_space<vmem>>, vector<128x128xf32>
    %dot_general3A = arith.constant dense<0.000000e+00> : vector<10000x128xf32>
    %dot_general3A_30 = tpu.matmul %max3A_23, %get3A_29, %dot_general3A {dimension_numbers = #tpu.dot_dimension_numbers<[1], [0], [0], [1], [0, 0, 1, 1], [], []>, transpose_lhs_hint = false} : vector<10000x128xf32>, vector<128x128xf32>, vector<10000x128xf32> -> vector<10000x128xf32>
    %mul3A_31 = vector.broadcast %get3A_26 : vector<10000x1xf32> to vector<10000x128xf32>
    %mul3A_32 = arith.mulf %mul3A_31, %dot_general3A_30 : vector<10000x128xf32>
    %swap3A = arith.constant 0 : index
    %swap3A_33 = arith.constant 0 : index
    %swap3A_34 = vector.load %arg5[%swap3A, %swap3A_33] : memref<10000x128xf32, #tpu.memory_space<vmem>>, vector<10000x128xf32>
    tpu.vector_store %arg5[%swap3A, %swap3A_33], %mul3A_32 {strides = array<i32>} : memref<10000x128xf32, #tpu.memory_space<vmem>>, vector<10000x128xf32>,
    return
  }
}

module attributes {stable_mosaic.version = 14 : i64} {
  func.func @body(%arg0: memref<2x10000x128xf32, #tpu.memory_space<vmem>>, %arg1: memref<10000x128xf32, #tpu.memory_space<vmem>>, %arg2: memref<10000x1xf32, #tpu.memory_space<vmem>>, %arg3: memref<1x128xf32, #tpu.memory_space<vmem>>, %arg4: memref<128x48xf32, #tpu.memory_space<vmem>>, %arg5: memref<10000x48xf32, #tpu.memory_space<vmem>>) attributes {dimension_semantics = [], scalar_prefetch = 0 : i64, scratch_operands = 0 : i64, tpu.core_type = #tpu.core_type<tc>} {
    %get3A = arith.constant 0 : index
    %get3A_0 = arith.constant 0 : index
    %get3A_1 = arith.constant 0 : index
    %get3A_2 = vector.load %arg0[%get3A, %get3A_0, %get3A_1] : memref<2x10000x128xf32, #tpu.memory_space<vmem>>, vector<1x10000x128xf32>
    %get3A_3 = vector.shape_cast %get3A_2 : vector<1x10000x128xf32> to vector<10000x128xf32>
    %get3A_4 = arith.constant 1 : index
    %get3A_5 = arith.constant 0 : index
    %get3A_6 = arith.constant 0 : index
    %get3A_7 = vector.load %arg0[%get3A_4, %get3A_5, %get3A_6] : memref<2x10000x128xf32, #tpu.memory_space<vmem>>, vector<1x10000x128xf32>
    %get3A_8 = vector.shape_cast %get3A_7 : vector<1x10000x128xf32> to vector<10000x128xf32>
    %add3A = arith.addf %get3A_3, %get3A_8 : vector<10000x128xf32>
    %get3A_9 = arith.constant 0 : index
    %get3A_10 = arith.constant 0 : index
    %get3A_11 = vector.load %arg1[%get3A_9, %get3A_10] : memref<10000x128xf32, #tpu.memory_space<vmem>>, vector<10000x128xf32>
    %add3A_12 = arith.addf %add3A, %get3A_11 : vector<10000x128xf32>
    %get3A_13 = arith.constant 0 : index
    %get3A_14 = arith.constant 0 : index
    %get3A_15 = vector.load %arg2[%get3A_13, %get3A_14] : memref<10000x1xf32, #tpu.memory_space<vmem>>, vector<10000x1xf32>
    %mul3A = vector.broadcast %get3A_15 : vector<10000x1xf32> to vector<10000x128xf32>
    %mul3A_16 = arith.mulf %mul3A, %add3A_12 : vector<10000x128xf32>
    %get3A_17 = arith.constant 0 : index
    %get3A_18 = arith.constant 0 : index
    %get3A_19 = vector.load %arg3[%get3A_17, %get3A_18] : memref<1x128xf32, #tpu.memory_space<vmem>>, vector<1x128xf32>
    %add3A_20 = vector.broadcast %get3A_19 : vector<1x128xf32> to vector<10000x128xf32>
    %add3A_21 = arith.addf %mul3A_16, %add3A_20 : vector<10000x128xf32>
    %max3A = arith.constant 0.000000e+00 : f32
    %max3A_22 = vector.broadcast %max3A : f32 to vector<10000x128xf32>
    %max3A_23 = arith.maximumf %add3A_21, %max3A_22 : vector<10000x128xf32>
    %get3A_24 = arith.constant 0 : index
    %get3A_25 = arith.constant 0 : index
    %get3A_26 = vector.load %arg2[%get3A_24, %get3A_25] : memref<10000x1xf32, #tpu.memory_space<vmem>>, vector<10000x1xf32>
    %get3A_27 = arith.constant 0 : index
    %get3A_28 = arith.constant 0 : index
    %get3A_29 = vector.load %arg4[%get3A_27, %get3A_28] : memref<128x48xf32, #tpu.memory_space<vmem>>, vector<128x48xf32>
    %dot_general3A = arith.constant dense<0.000000e+00> : vector<10000x48xf32>
    %dot_general3A_30 = tpu.matmul %max3A_23, %get3A_29, %dot_general3A {dimension_numbers = #tpu.dot_dimension_numbers<[1], [0], [0], [1], [0, 0, 1, 1], [], []>, transpose_lhs_hint = false} : vector<10000x128xf32>, vector<128x48xf32>, vector<10000x48xf32> -> vector<10000x48xf32>
    %mul3A_31 = vector.broadcast %get3A_26 : vector<10000x1xf32> to vector<10000x48xf32>
    %mul3A_32 = arith.mulf %mul3A_31, %dot_general3A_30 : vector<10000x48xf32>
    %swap3A = arith.constant 0 : index
    %swap3A_33 = arith.constant 0 : index
    %swap3A_34 = vector.load %arg5[%swap3A, %swap3A_33] : memref<10000x48xf32, #tpu.memory_space<vmem>>, vector<10000x48xf32>
    tpu.vector_store %arg5[%swap3A, %swap3A_33], %mul3A_32 {strides = array<i32>} : memref<10000x48xf32, #tpu.memory_space<vmem>>, vector<10000x48xf32>,
    return
  }
}

module attributes {stable_mosaic.version = 14 : i64} {
  func.func @body(%arg0: memref<2x10000x48xf32, #tpu.memory_space<vmem>>, %arg1: memref<10000x48xf32, #tpu.memory_space<vmem>>, %arg2: memref<10000x1xf32, #tpu.memory_space<vmem>>, %arg3: memref<1x48xf32, #tpu.memory_space<vmem>>, %arg4: memref<10000x48xf32, #tpu.memory_space<vmem>>) attributes {dimension_semantics = [], scalar_prefetch = 0 : i64, scratch_operands = 0 : i64, tpu.core_type = #tpu.core_type<tc>} {
    %get3A = arith.constant 0 : index
    %get3A_0 = arith.constant 0 : index
    %get3A_1 = arith.constant 0 : index
    %get3A_2 = vector.load %arg0[%get3A, %get3A_0, %get3A_1] : memref<2x10000x48xf32, #tpu.memory_space<vmem>>, vector<1x10000x48xf32>
    %get3A_3 = vector.shape_cast %get3A_2 : vector<1x10000x48xf32> to vector<10000x48xf32>
    %get3A_4 = arith.constant 1 : index
    %get3A_5 = arith.constant 0 : index
    %get3A_6 = arith.constant 0 : index
    %get3A_7 = vector.load %arg0[%get3A_4, %get3A_5, %get3A_6] : memref<2x10000x48xf32, #tpu.memory_space<vmem>>, vector<1x10000x48xf32>
    %get3A_8 = vector.shape_cast %get3A_7 : vector<1x10000x48xf32> to vector<10000x48xf32>
    %add3A = arith.addf %get3A_3, %get3A_8 : vector<10000x48xf32>
    %get3A_9 = arith.constant 0 : index
    %get3A_10 = arith.constant 0 : index
    %get3A_11 = vector.load %arg1[%get3A_9, %get3A_10] : memref<10000x48xf32, #tpu.memory_space<vmem>>, vector<10000x48xf32>
    %add3A_12 = arith.addf %add3A, %get3A_11 : vector<10000x48xf32>
    %get3A_13 = arith.constant 0 : index
    %get3A_14 = arith.constant 0 : index
    %get3A_15 = vector.load %arg2[%get3A_13, %get3A_14] : memref<10000x1xf32, #tpu.memory_space<vmem>>, vector<10000x1xf32>
    %mul3A = vector.broadcast %get3A_15 : vector<10000x1xf32> to vector<10000x48xf32>
    %mul3A_16 = arith.mulf %mul3A, %add3A_12 : vector<10000x48xf32>
    %get3A_17 = arith.constant 0 : index
    %get3A_18 = arith.constant 0 : index
    %get3A_19 = vector.load %arg3[%get3A_17, %get3A_18] : memref<1x48xf32, #tpu.memory_space<vmem>>, vector<1x48xf32>
    %add3A_20 = vector.broadcast %get3A_19 : vector<1x48xf32> to vector<10000x48xf32>
    %add3A_21 = arith.addf %mul3A_16, %add3A_20 : vector<10000x48xf32>
    %swap3A = arith.constant 0 : index
    %swap3A_22 = arith.constant 0 : index
    %swap3A_23 = vector.load %arg4[%swap3A, %swap3A_22] : memref<10000x48xf32, #tpu.memory_space<vmem>>, vector<10000x48xf32>
    tpu.vector_store %arg4[%swap3A, %swap3A_22], %add3A_21 {strides = array<i32>} : memref<10000x48xf32, #tpu.memory_space<vmem>>, vector<10000x48xf32>,
    return
  }
}

</mosaic_0001>

<sc_bundles>
// kernel: kernel.10.cloned.1.call-start
scs
__scs_entry_jumppad:
0x0: {  	(pc) =	sbr.rel $0x88, $3  }
0x1: {  	(tag) =	ssettag $0x0;
	lr =	simm.s32 $0x1  }
0x2: {  	[smem:$0x3F99] =	sst lr;
	_ =	strace $0xD0000000  }
0x3: {  	_ = 	snop  }
0x4: {  	_ = 	snop  }
0x5: {  	_ = 	snop  }
0x6: {  	_ = 	snop  }
0x7: {  	_ = 	snop  }
__scs_overlays_trampoline_lowered:
0x8: {  	[smem:$0x3FA8] =	sst s0  }
0x9: {  	[smem:$0x3FA9] =	sst s1  }
0xa: {  	[smem:$0x3FAA] =	sst s2  }
0xb: {  	[smem:$0x3FAB] =	sst s3  }
0xc: {  	[smem:$0x3FAC] =	sst s4  }
0xd: {  	[smem:$0x3FAD] =	sst s5  }
0xe: {  	[smem:$0x3FAE] =	sst s6  }
0xf: {  	[smem:$0x3FAF] =	sst s7  }
0x10: {  	[smem:$0x3FB0] =	sst s8  }
0x11: {  	[smem:$0x3FB1] =	sst s9;
	s0 =	simm.s32 @!p0 $0x0  }
0x12: {  	s1 =	sld [smem:$0x3F97];
	s0 =	simm.s32 @p0 $0x1  }
0x13: {  	[smem:$0x3FB2] =	sst s0;
	s0 =	simm.s32 @!p1 $0x0  }
0x14: {  	s2 =	sld [smem:$0x3F96];
	s0 =	simm.s32 @p1 $0x1  }
0x15: {  	[smem:$0x3FB3] =	sst s0;
	s0 =	simm.s32 @!p2 $0x0  }
0x16: {  	s3 =	sld [smem:$0x3FDB];
	s0 =	simm.s32 @p2 $0x1  }
0x17: {  	s4 =	simm.s32 $0x1BF5;
	[smem:$0x3FB5] =	sst s0  }
0x18: {  	s0 =	sld [smem:$0x3F98];
	_ =	swait.ge [sflag:s4], $0x0  }
0x19: {  	s7 =	sld [smem:$0x3F99]  }
0x1a: {  	s8 =	sadd.s32 $0xFFFFE003, lr  }
0x1b: {  	s9 =	sadd.s32 $0xFFFFFEF7, lr;
	s5 =	simm.s32 $0xFFFFFFFF;
	p2 =	slt.u32 s8, $0xFFFFF086  }
0x1c: {  	p1 =	slt.u32 s9, $0xF7A;
	s5 =	simm.s32 @!p2 $0x0  }
0x1d: {  	s5 =	simm.s32 @p1 $0x1;
	p0 =	seq.s32 s7, s2  }
0x1e: {  	s7 =	smul.u32 @!p0 $0xF7A, s2;
	p2 =	seq.s32 @!p0 s5, $0x0  }
0x1f: {  	s9 =	smul.u32 $0xF7A, s1;
	s8 =	simm.s32 @!p0 $0x1BF5;
	p2 =	por !p2, p0  }
0x20: {  	[sflag:s8] =	ssyncset.s32 @!p0 $0xFFFFF086;
	s6 =	sadd.s32 @!p0 s3, s7;
	s7 =	simm.s32 @!p0 $0x108  }
0x21: {  	s3 =	sadd.s32 s3, s9;
	s6 =	sadd.s32 @!p0 $0x88, s6;
	s7 =	simm.s32 @p2 $0x1082  }
0x22: {  	[simem:s7], [sflag:s8] =	dma.local @!p0 [hbm:s6], $0xF7A  }
0x23: {  	s9 =	sor.u32 $0xD0000000, s2;
	s6 =	simm.s32 $0x108;
	_ =	swait.ge @!p0 [sflag:s8], $0x0  }
0x24: {  	s3 =	sadd.s32 $0x88, s3;
	s6 =	simm.s32 @!p1 $0x1082;
	[sflag:s4] =	ssyncset.s32 $0xFFFFF086  }
0x25: {  	[simem:s6], [sflag:s4] =	dma.local [hbm:s3], $0xF7A  }
0x26: {  	[smem:$0x3F99] =	sst s1;
	(tag) =	ssettag s2;
	_ =	strace s9  }
0x27: {  	s1 =	sld [smem:$0x3FA9]  }
0x28: {  	s2 =	sld [smem:$0x3FAA]  }
0x29: {  	s4 =	sld [smem:$0x3FAC]  }
0x2a: {  	p0 =	seq.s32 s5, $0x0;
	s5 =	sld [smem:$0x3FAD]  }
0x2b: {  	s6 =	sld [smem:$0x3FAE]  }
0x2c: {  	s7 =	sld [smem:$0x3FAF]  }
0x2d: {  	s3 =	simm.s32 $0x108;
	s8 =	sld [smem:$0x3FB0]  }
0x2e: {  	s3 =	simm.s32 @!p0 $0x1082;
	s9 =	sld [smem:$0x3FB1]  }
0x2f: {  	lr =	sadd.s32 s0, s3;
	s0 =	sld [smem:$0x3FA8]  }
0x30: {  	s3 =	sld [smem:$0x3FAB]  }
0x31: {  	[smem:$0x3FB4] =	sst s10  }
0x32: {  	s10 =	sld [smem:$0x3FB2];
	_ =	sdelay $0x3  }
0x33: {  	p0 =	seq.s32 s10, $0x1;
	s10 =	sld [smem:$0x3FB4];
	_ =	sdelay $0x3  }
0x34: {  	[smem:$0x3FB4] =	sst s10  }
0x35: {  	s10 =	sld [smem:$0x3FB3];
	_ =	sdelay $0x3  }
0x36: {  	p1 =	seq.s32 s10, $0x1;
	s10 =	sld [smem:$0x3FB4];
	_ =	sdelay $0x3  }
0x37: {  	[smem:$0x3FB4] =	sst s10  }
0x38: {  	s10 =	sld [smem:$0x3FB5]  }
0x39: {  	_ = 	snop;
	(pc) =	sbr.ind lr, $3  }
0x3a: {  	_ = 	snop  }
0x3b: {  	_ = 	snop  }
0x3c: {  	p2 =	seq.s32 s10, $0x1;
	s10 =	sld [smem:$0x3FB4]  }
0x3d: {  	_ =	shalt  }
0x3e: {  	_ =	shalt  }
0x3f: {  	_ =	shalt  }
0x40: {  	_ =	shalt  }
0x41: {  	_ =	shalt  }
0x42: {  	_ =	shalt  }
0x43: {  	_ =	shalt  }
0x44: {  	_ =	shalt  }
0x45: {  	_ =	shalt  }
0x46: {  	_ =	shalt  }
0x47: {  	_ =	shalt  }
0x48: {  	_ =	shalt  }
0x49: {  	_ =	shalt  }
0x4a: {  	_ =	shalt  }
0x4b: {  	_ =	shalt  }
0x4c: {  	_ =	shalt  }
0x4d: {  	_ =	shalt  }
0x4e: {  	_ =	shalt  }
0x4f: {  	_ =	shalt  }
0x50: {  	_ =	shalt  }
0x51: {  	_ =	shalt  }
0x52: {  	_ =	shalt  }
0x53: {  	_ =	shalt  }
0x54: {  	_ =	shalt  }
0x55: {  	_ =	shalt  }
0x56: {  	_ =	shalt  }
0x57: {  	_ =	shalt  }
0x58: {  	_ =	shalt  }
0x59: {  	_ =	shalt  }
0x5a: {  	_ =	shalt  }
0x5b: {  	_ =	shalt  }
0x5c: {  	_ =	shalt  }
0x5d: {  	_ =	shalt  }
0x5e: {  	_ =	shalt  }
0x5f: {  	_ =	shalt  }
0x60: {  	_ =	shalt  }
0x61: {  	_ =	shalt  }
0x62: {  	_ =	shalt  }
0x63: {  	_ =	shalt  }
0x64: {  	_ =	shalt  }
0x65: {  	_ =	shalt  }
0x66: {  	_ =	shalt  }
0x67: {  	_ =	shalt  }
0x68: {  	_ =	shalt  }
0x69: {  	_ =	shalt  }
0x6a: {  	_ =	shalt  }
0x6b: {  	_ =	shalt  }
0x6c: {  	_ =	shalt  }
0x6d: {  	_ =	shalt  }
0x6e: {  	_ =	shalt  }
0x6f: {  	_ =	shalt  }
0x70: {  	_ =	shalt  }
0x71: {  	_ =	shalt  }
0x72: {  	_ =	shalt  }
0x73: {  	_ =	shalt  }
0x74: {  	_ =	shalt  }
0x75: {  	_ =	shalt  }
0x76: {  	_ =	shalt  }
0x77: {  	_ =	shalt  }
0x78: {  	_ =	shalt  }
0x79: {  	_ =	shalt  }
0x7a: {  	_ =	shalt  }
0x7b: {  	_ =	shalt  }
0x7c: {  	_ =	shalt  }
0x7d: {  	_ =	shalt  }
0x7e: {  	_ =	shalt  }
0x7f: {  	_ =	shalt  }
0x80: {  	_ =	shalt  }
0x81: {  	_ =	shalt  }
0x82: {  	_ =	shalt  }
0x83: {  	_ =	shalt  }
0x84: {  	_ =	shalt  }
0x85: {  	_ =	shalt  }
0x86: {  	_ =	shalt  }
0x87: {  	_ =	shalt  }
.Lfunc_end0:
.L_simem_size_0:
called_computation_lowered:
.L_overlay_start_0:
0x88: {  	s2 =	sld [smem:$0x3FD9]  }
0x89: {  	s3 =	sld [smem:$0x3FFE];
	_ =	sdelay $0x1  }
0x8a: {  	s1 =	srdreg.scid  }
0x8b: {  	s0 =	sand.u32 $0x1, s1  }
0x8c: {  	s17 =	sshll.u32 s0, $0xA;
	s2 =	sadd.s32 s3, s2  }
0x8d: {  	s2 =	sadd.s32 s2, s17  }
0x8e: {  	[smem:$0x3FC0] =	sst s2  }
0x8f: {  	_ = 	snop  }
0x90: {  	s2 =	sld [smem:$0x3FD0];
	(tm) =	ssettm $0x1  }
0x91: {  	s18 =	sld [smem:$0x3FFB];
	_ =	sdelay $0x3  }
0x92: {  	_ =	strace s18  }
0x93: {  	s3 =	sld [smem:$0x3FFC];
	_ =	sdelay $0x3  }
0x94: {  	_ =	strace s3  }
0x95: {  	s3 =	sld [smem:$0x3FFD];
	_ =	sdelay $0x3  }
0x96: {  	_ =	strace s3  }
0x97: {  	_ =	strace $0x8FFFFFFF  }
0x98: {  	s19 =	sld [smem:$0x3FDB];
	_ =	sdelay $0x1  }
0x99: {  	s4 =	simm.s32 $_scs_section_size  }
0x9a: {  	s5 =	simm.s32 $_size__tile_overlayer_lowered;
	s6 =	simm.s32 $_tile_overlayer_lowered  }
0x9b: {  	s22 =	simm.s32 $0x1BFF;
	s21 =	sshll.u32 s6, $0x1;
	s3 =	sadd.s32 s4, s19  }
0x9c: {  	s7 =	simm.s32 $0x0;
	s20 =	sshll.u32 s5, $0x1;
	s5 =	sadd.s32 s21, s3  }
0x9d: {  	[timem:s7], [sflag:s22] =	dma.local [hbm:s5], s20  }
0x9e: {  	_ =	swait.ge [sflag:s22], s20  }
0x9f: {  	s4 =	ssub.s32 $0x0, s20;
	[sflag:s22] =	ssyncset.done $0x0  }
0xa0: {  	[sflag:s22] =	ssyncadd.s32 s4;
	_ =	sdelay $0x1  }
0xa1: {  	s23 =	simm.s32 $0x1B8B  }
0xa2: {  	_ =	swait.ge [sflag:s23], $0x1  }
0xa3: {  	[sflag:s23] =	ssyncset.done $0x0  }
0xa4: {  	s25 =	simm.s32 $0x1B8E;
	s24 =	sld [smem:$0x3FFE];
	[sflag:s23] =	ssyncadd.s32 $0xFFFFFFFF  }
0xa5: {  	s26 =	simm.s32 $execute0_lowered;
	[smem:$0x3FD2] =	sst s25  }
0xa6: {  	s5 =	sshll.u32 s26, $0x1;
	_ =	strace $0x80000046;
	[dreg:$0x1] =	wrdreg $0xFFFFFFFF  }
0xa7: {  	s28 =	simm.s32 $_size_execute0_lowered;
	s3 =	sadd.s32 s3, s5;
	[dreg:$0x0] =	wrdreg $0x0  }
0xa8: {  	s5 =	sshll.u32 s28, $0x1;
	[dreg:$0x2] =	wrdreg s3  }
0xa9: {  	[dreg:$0x3] =	wrdreg s5  }
0xaa: {  	[dreg:$0x4] =	wrdreg $0xC0  }
0xab: {  	_ =	task [dreg:s7], $0x5FFFF  }
0xac: {  	[dreg:$0x1] =	wrdreg $0xFFFFFFFF  }
0xad: {  	[dreg:$0x0] =	wrdreg $0x60  }
0xae: {  	[dreg:$0x2] =	wrdreg s2  }
0xaf: {  	[dreg:$0x3] =	wrdreg s24  }
0xb0: {  	[dreg:$0x4] =	wrdreg $0x2EE00  }
0xb1: {  	[dreg:$0x5] =	wrdreg $0x9  }
0xb2: {  	_ =	task.clear_ibuf [dreg:s7], $0x6FFFF;
	_ =	strace $0x90000046  }
0xb3: {  	s29 =	simm.s32 $0x9;
	_ =	strace $0x80000048  }
0xb4: {  	_ =	swait.ge [sflag:s29], $0x1  }
0xb5: {  	[sflag:s29] =	ssyncadd.s32 $0xFFFFFFFF  }
0xb6: {  	_ =	strace $0x90000048  }
0xb7: {  	_ =	sfence  }
0xb8: {  	s30 =	sld [smem:$0x0];
	_ =	sdelay $0x2  }
0xb9: {  	s31 =	sshll.u32 s1, $0xD;
	s1 =	sshrl.u32 s1, $0x2  }
0xba: {  	s3 =	sand.u32 $0x4000, s31;
	s1 =	sadd.s32 s1, s30  }
0xbb: {  	s0 =	sor.u32 s3, s0;
	s1 =	sshll.u32 s1, $0x11  }
0xbc: {  	s0 =	sor.u32 s1, s0  }
0xbd: {  	s0 =	sadd.s32 $0x8F2B, s0  }
0xbe: {  	[sflag:s0] =	ssyncadd.remote.s32 $0x1  }
0xbf: {  	_ =	sfence.sel $0xFFFF  }
0xc0: {  	[dreg:$0x0] =	wrdreg $0xFFFFFFFF;
	(pc) =	sbr.abs _section_cstart, $3  }
0xc1: {  	[dreg:$0x1] =	wrdreg $0xFFFFFFFF  }
0xc2: {  	_ =	task.clear_ibuf [dreg:s7], $0x2FFFF;
	_ =	strace $0x9FFFFFFF  }
0xc3: {  	(tm) =	ssettm $0x7FFFFFFF  }
tec
execute0_lowered:
.L_overlay_start_1:
0x0: {  	(tag) =	ssettag $0x1  }
0x1: {  	s5 =	rddreg [dreg:$0x0]  }
0x2: {  	s6 =	rddreg [dreg:$0x1]  }
0x3: {  	s2 =	rddreg [dreg:$0x2]  }
0x4: {  	s0 =	rddreg [dreg:$0x3];
	s4 =	srdreg.scid  }
0x5: {  	s3 =	simm.s32 $0x0;
	s1 =	stileid.u32;
	s13 =	simm.s32 $0x1  }
0x6: {  	s14 =	simm.s32 $0x2;
	s15 =	simm.s32 $0x2838;
	s4 =	sand.u32 $0x1, s4  }
0x7: {  	[smem:$0x7FF] =	sst s3;
	s7 =	smul.u32 $0x2710, s1;
	s31 =	sshll.u32 s1, $0x6  }
0x8: {  	s8 =	sshll.u32 s4, $0x4;
	_ =	strace $0x80000047;
	s9 =	smul.u32 $0x4E20, s4  }
0x9: {  	s10 =	ssub.s32 $0x2, s4;
	s4 =	sadd.s32 $0x8200, s6;
	s8 =	sor.u32 s1, s8  }
0xa: {  	s16 =	sshrl.u32 s7, $0x3;
	s12 =	sshrl.u32 s10, $0x1;
	s30 =	sadd.s32 s7, s2  }
0xb: {  	s8 =	smul.u32 $0x514, s8;
	s11 =	sadd.s32 s16, s6;
	s9 =	sadd.s32 s9, s6  }
0xc: {  	s10 =	ssub.s32 s10, s12;
	s12 =	simm.s32 $0x64;
	s6 =	sadd.s32 $0x3200, s11  }
0xd: {  	s17 =	sadd.s32 $0x8400, s9;
	s7 =	smax.u32 s10, $0x1;
	s9 =	simm.s32 $0x28A0  }
0xe: {  	s10 =	sor.u32 $0x1C03, s31;
	s11 =	sshrl.u32 s30, $0x3;
	s5 =	sadd.s32 s5, s8  }
0xf: {  	s8 =	simm.s32 $0x3;
	s16 =	sadd.s32 s16, s17;
	s17 =	simm.s32 $0x0  }
.LBB2_1:
0x10: {  	[tilespmem:s3], [sflag:$0x3] =	stream.linear.gather [hbm4b:s5+s3], $0x28A0, $0x38;
	[tilespmem:$0x55F0] =	vst v63  }
0x11: {  	_ =	swait.ge [sflag:s8], $0x28A0  }
0x12: {  	[sflag:s8] =	ssyncset.done $0x0  }
0x13: {  	[sflag:s8] =	ssyncadd.s32 $0xFFFFD760  }
0x14: {  	[tilespmem:s9], [sflag:$0x3] =	stream.linear.gather [hbm4b:s4+s3], $0x640, $0x38;
	[tilespmem:$0x55F0] =	vst v63  }
0x15: {  	_ =	swait.ge [sflag:s8], $0x640  }
0x16: {  	[sflag:s8] =	ssyncset.done $0x0  }
0x17: {  	[sflag:s8] =	ssyncadd.s32 $0xFFFFF9C0  }
0x18: {  	[spmem:s11], [sflag:s10] =	dma.local [hbm:s6], $0x4E2  }
0x19: {  	_ =	swait.ge [sflag:s8], $0x4E2  }
0x1a: {  	[sflag:s8] =	ssyncset.done $0x0  }
0x1b: {  	[sflag:s8] =	ssyncadd.s32 $0xFFFFFB1E  }
0x1c: {  	[bflag:$0x0] =	sbarrier.arrive $0xFFFF  }
0x1d: {  	[spmem:s2] =	stream.indirect.scatter.add.f32 [tilespmem:s9], [sflag:$0x1], $0x10, s3, s12, $0xb8;
	[tilespmem:$0x55F0] =	vst v63  }
0x1e: {  	s18 =	simm.s32 $0x68  }
0x1f: {  	[spmem:s2] =	stream.indirect.scatter.add.f32 [tilespmem:s9], [sflag:$0x2], $0x10, s18, s12, $0xb8;
	[tilespmem:$0x55F0] =	vst v63  }
0x20: {  	_ =	swait.ge [sflag:s13], $0x640  }
0x21: {  	[sflag:s13] =	ssyncset.done $0x0  }
0x22: {  	s31 =	simm.s32 $0xD0;
	[sflag:s13] =	ssyncadd.s32 $0xFFFFF9C0  }
0x23: {  	[spmem:s2] =	stream.indirect.scatter.add.f32 [tilespmem:s9], [sflag:$0x1], $0x10, s31, s12, $0xb8;
	[tilespmem:$0x55F0] =	vst v63  }
0x24: {  	_ =	swait.ge [sflag:s14], $0x640  }
0x25: {  	s19 =	simm.s32 $0xFFFF6740;
	s18 =	simm.s32 $0xFFFFD900;
	[sflag:s14] =	ssyncset.done $0x0  }
.LBB2_2:
0x26: {  	s20 =	sadd.s32 $0x2838, s18  }
0x27: {  	[sflag:s14] =	ssyncadd.s32 $0xFFFFF9C0;
	s21 =	smov.u32 s19;
	s22 =	sadd.s32 $0x340, s19  }
0x28: {  	[spmem:s2] =	stream.indirect.scatter.add.f32 [tilespmem:s9], [sflag:$0x2], $0x10, s20, s12, $0xb8;
	[tilespmem:$0x55F0] =	vst v63  }
0x29: {  	p0 =	sne.s32 s19, $0xFFFFFCC0;
	_ =	swait.ge [sflag:s13], $0x640  }
.Ltmp0:
0x2a: {  	[sflag:s13] =	ssyncset.done $0x0;
	(pc) =	sbr.rel @p0 .LBB2_2-.Ltmp0, $4  }
0x2b: {  	s18 =	sadd.s32 $0x28A0, s18;
	[sflag:s13] =	ssyncadd.s32 $0xFFFFF9C0  }
0x2c: {  	[spmem:s2] =	stream.indirect.scatter.add.f32 [tilespmem:s9], [sflag:$0x1], $0x10, s18, s12, $0xb8;
	[tilespmem:$0x55F0] =	vst v63  }
0x2d: {  	_ =	swait.ge [sflag:s14], $0x640  }
0x2e: {  	s19 =	smov.u32 s22;
	s18 =	sshra.s32 s21, $0x2;
	[sflag:s14] =	ssyncset.done $0x0  }
0x2f: {  	s19 =	sadd.s32 $0x2838, s18;
	[sflag:s14] =	ssyncadd.s32 $0xFFFFF9C0  }
0x30: {  	[spmem:s2] =	stream.indirect.scatter.add.f32 [tilespmem:s9], [sflag:$0x2], $0x10, s19, s12, $0xb8;
	[tilespmem:$0x55F0] =	vst v63  }
0x31: {  	_ =	swait.ge [sflag:s13], $0x640  }
0x32: {  	[sflag:s13] =	ssyncset.done $0x0  }
0x33: {  	s31 =	sadd.s32 $0x28A0, s18;
	[sflag:s13] =	ssyncadd.s32 $0xFFFFF9C0  }
0x34: {  	[spmem:s2] =	stream.indirect.scatter.add.f32 [tilespmem:s9], [sflag:$0x1], $0x10, s31, s12, $0xb8;
	[tilespmem:$0x55F0] =	vst v63  }
0x35: {  	_ =	swait.ge [sflag:s14], $0x640  }
0x36: {  	[sflag:s14] =	ssyncset.done $0x0  }
0x37: {  	[sflag:s14] =	ssyncadd.s32 $0xFFFFF9C0  }
0x38: {  	[spmem:s2] =	stream.indirect.scatter.add.f32 [tilespmem:s9], [sflag:$0x2], $0x10, s15, s12, $0xb8;
	[tilespmem:$0x55F0] =	vst v63  }
0x39: {  	_ =	swait.ge [sflag:s13], $0x640  }
0x3a: {  	[sflag:s13] =	ssyncset.done $0x0  }
0x3b: {  	[sflag:s13] =	ssyncadd.s32 $0xFFFFF9C0  }
0x3c: {  	_ =	swait.ge [sflag:s14], $0x640  }
0x3d: {  	s17 =	sadd.s32 $0x1, s17;
	[sflag:s14] =	ssyncset.done $0x0  }
0x3e: {  	p0 =	sne.s32 s17, s7;
	[sflag:s14] =	ssyncadd.s32 $0xFFFFF9C0  }
.Ltmp1:
0x3f: {  	[bflag:$0x0] =	sbarrier.arrive $0xFFFF;
	(pc) =	sbr.rel @p0 .LBB2_1-.Ltmp1, $4  }
0x40: {  	[hbm:s16], [sflag:s10] =	dma.local [spmem:s11], $0x4E2  }
0x41: {  	_ =	swait.ge [sflag:s8], $0x4E2  }
0x42: {  	[sflag:s8] =	ssyncset.done $0x0  }
0x43: {  	[sflag:s8] =	ssyncadd.s32 $0xFFFFFB1E  }
0x44: {  	_ =	sfence.sel $0x180000  }
0x45: {  	[bflag:$0x0] =	sbarrier.arrive $0xFFFF  }
0x46: {  	p0 =	sne.s32 s1, $0x0;
	_ =	strace $0x90000047  }
0x47: {  	s0 =	sadd.s32 @!p0 $0x100000, s0;
	[bflag:$0x2] =	sbarrier.arrive $0xFFFF  }
0x48: {  	[sflag:s0] =	ssyncadd.tile.s32 @!p0 $0x1;
	_ =	shalt  }
.Lfunc_end2:
_tile_overlayer_lowered:
.L_overlay_start_2:
0x49: {  	(tag) =	ssettag $0x2  }
0x4a: {  	s0 =	rddreg [dreg:$0x0];
	s2 =	stileid.u32  }
0x4b: {  	s1 =	rddreg [dreg:$0x1];
	p0 =	sne.s32 s2, $0x0  }
0x4c: {  	s3 =	rddreg [dreg:$0x2];
	[bflag:$0x3] =	sbarrier.arrive $0xFFFF;
	s2 =	simm.s32 @!p0 $0x1C03  }
0x4d: {  	[timem:s3], [sflag:s2] =	dma.local @!p0 [hbm:s0], s1  }
0x4e: {  	s0 =	simm.s32 @!p0 $0x3  }
0x4f: {  	_ =	swait.ge @!p0 [sflag:s0], s1  }
0x50: {  	s1 =	ssub.s32 @!p0 $0x0, s1;
	[sflag:s0] =	ssyncset.done @!p0 $0x0  }
0x51: {  	[sflag:s0] =	ssyncadd.s32 @!p0 s1  }
0x52: {  	[bflag:$0x3] =	sbarrier.arrive $0xFFFF  }
0x53: {  	_ =	shalt  }

// kernel: kernel.13.cloned.1.call-start
scs
__scs_entry_jumppad:
0x0: {  	(pc) =	sbr.rel $0x88, $3  }
0x1: {  	(tag) =	ssettag $0x0;
	lr =	simm.s32 $0x1  }
0x2: {  	[smem:$0x3F99] =	sst lr;
	_ =	strace $0xD0000000  }
0x3: {  	_ = 	snop  }
0x4: {  	_ = 	snop  }
0x5: {  	_ = 	snop  }
0x6: {  	_ = 	snop  }
0x7: {  	_ = 	snop  }
__scs_overlays_trampoline_lowered:
0x8: {  	[smem:$0x3FA8] =	sst s0  }
0x9: {  	[smem:$0x3FA9] =	sst s1  }
0xa: {  	[smem:$0x3FAA] =	sst s2  }
0xb: {  	[smem:$0x3FAB] =	sst s3  }
0xc: {  	[smem:$0x3FAC] =	sst s4  }
0xd: {  	[smem:$0x3FAD] =	sst s5  }
0xe: {  	[smem:$0x3FAE] =	sst s6  }
0xf: {  	[smem:$0x3FAF] =	sst s7  }
0x10: {  	[smem:$0x3FB0] =	sst s8  }
0x11: {  	[smem:$0x3FB1] =	sst s9;
	s0 =	simm.s32 @!p0 $0x0  }
0x12: {  	s1 =	sld [smem:$0x3F97];
	s0 =	simm.s32 @p0 $0x1  }
0x13: {  	[smem:$0x3FB2] =	sst s0;
	s0 =	simm.s32 @!p1 $0x0  }
0x14: {  	s2 =	sld [smem:$0x3F96];
	s0 =	simm.s32 @p1 $0x1  }
0x15: {  	[smem:$0x3FB3] =	sst s0;
	s0 =	simm.s32 @!p2 $0x0  }
0x16: {  	s3 =	sld [smem:$0x3FDB];
	s0 =	simm.s32 @p2 $0x1  }
0x17: {  	s4 =	simm.s32 $0x1BF5;
	[smem:$0x3FB5] =	sst s0  }
0x18: {  	s0 =	sld [smem:$0x3F98];
	_ =	swait.ge [sflag:s4], $0x0  }
0x19: {  	s7 =	sld [smem:$0x3F99]  }
0x1a: {  	s8 =	sadd.s32 $0xFFFFE003, lr  }
0x1b: {  	s9 =	sadd.s32 $0xFFFFFEF7, lr;
	s5 =	simm.s32 $0xFFFFFFFF;
	p2 =	slt.u32 s8, $0xFFFFF086  }
0x1c: {  	p1 =	slt.u32 s9, $0xF7A;
	s5 =	simm.s32 @!p2 $0x0  }
0x1d: {  	s5 =	simm.s32 @p1 $0x1;
	p0 =	seq.s32 s7, s2  }
0x1e: {  	s7 =	smul.u32 @!p0 $0xF7A, s2;
	p2 =	seq.s32 @!p0 s5, $0x0  }
0x1f: {  	s9 =	smul.u32 $0xF7A, s1;
	s8 =	simm.s32 @!p0 $0x1BF5;
	p2 =	por !p2, p0  }
0x20: {  	[sflag:s8] =	ssyncset.s32 @!p0 $0xFFFFF086;
	s6 =	sadd.s32 @!p0 s3, s7;
	s7 =	simm.s32 @!p0 $0x108  }
0x21: {  	s3 =	sadd.s32 s3, s9;
	s6 =	sadd.s32 @!p0 $0x88, s6;
	s7 =	simm.s32 @p2 $0x1082  }
0x22: {  	[simem:s7], [sflag:s8] =	dma.local @!p0 [hbm:s6], $0xF7A  }
0x23: {  	s9 =	sor.u32 $0xD0000000, s2;
	s6 =	simm.s32 $0x108;
	_ =	swait.ge @!p0 [sflag:s8], $0x0  }
0x24: {  	s3 =	sadd.s32 $0x88, s3;
	s6 =	simm.s32 @!p1 $0x1082;
	[sflag:s4] =	ssyncset.s32 $0xFFFFF086  }
0x25: {  	[simem:s6], [sflag:s4] =	dma.local [hbm:s3], $0xF7A  }
0x26: {  	[smem:$0x3F99] =	sst s1;
	(tag) =	ssettag s2;
	_ =	strace s9  }
0x27: {  	s1 =	sld [smem:$0x3FA9]  }
0x28: {  	s2 =	sld [smem:$0x3FAA]  }
0x29: {  	s4 =	sld [smem:$0x3FAC]  }
0x2a: {  	p0 =	seq.s32 s5, $0x0;
	s5 =	sld [smem:$0x3FAD]  }
0x2b: {  	s6 =	sld [smem:$0x3FAE]  }
0x2c: {  	s7 =	sld [smem:$0x3FAF]  }
0x2d: {  	s3 =	simm.s32 $0x108;
	s8 =	sld [smem:$0x3FB0]  }
0x2e: {  	s3 =	simm.s32 @!p0 $0x1082;
	s9 =	sld [smem:$0x3FB1]  }
0x2f: {  	lr =	sadd.s32 s0, s3;
	s0 =	sld [smem:$0x3FA8]  }
0x30: {  	s3 =	sld [smem:$0x3FAB]  }
0x31: {  	[smem:$0x3FB4] =	sst s10  }
0x32: {  	s10 =	sld [smem:$0x3FB2];
	_ =	sdelay $0x3  }
0x33: {  	p0 =	seq.s32 s10, $0x1;
	s10 =	sld [smem:$0x3FB4];
	_ =	sdelay $0x3  }
0x34: {  	[smem:$0x3FB4] =	sst s10  }
0x35: {  	s10 =	sld [smem:$0x3FB3];
	_ =	sdelay $0x3  }
0x36: {  	p1 =	seq.s32 s10, $0x1;
	s10 =	sld [smem:$0x3FB4];
	_ =	sdelay $0x3  }
0x37: {  	[smem:$0x3FB4] =	sst s10  }
0x38: {  	s10 =	sld [smem:$0x3FB5]  }
0x39: {  	_ = 	snop;
	(pc) =	sbr.ind lr, $3  }
0x3a: {  	_ = 	snop  }
0x3b: {  	_ = 	snop  }
0x3c: {  	p2 =	seq.s32 s10, $0x1;
	s10 =	sld [smem:$0x3FB4]  }
0x3d: {  	_ =	shalt  }
0x3e: {  	_ =	shalt  }
0x3f: {  	_ =	shalt  }
0x40: {  	_ =	shalt  }
0x41: {  	_ =	shalt  }
0x42: {  	_ =	shalt  }
0x43: {  	_ =	shalt  }
0x44: {  	_ =	shalt  }
0x45: {  	_ =	shalt  }
0x46: {  	_ =	shalt  }
0x47: {  	_ =	shalt  }
0x48: {  	_ =	shalt  }
0x49: {  	_ =	shalt  }
0x4a: {  	_ =	shalt  }
0x4b: {  	_ =	shalt  }
0x4c: {  	_ =	shalt  }
0x4d: {  	_ =	shalt  }
0x4e: {  	_ =	shalt  }
0x4f: {  	_ =	shalt  }
0x50: {  	_ =	shalt  }
0x51: {  	_ =	shalt  }
0x52: {  	_ =	shalt  }
0x53: {  	_ =	shalt  }
0x54: {  	_ =	shalt  }
0x55: {  	_ =	shalt  }
0x56: {  	_ =	shalt  }
0x57: {  	_ =	shalt  }
0x58: {  	_ =	shalt  }
0x59: {  	_ =	shalt  }
0x5a: {  	_ =	shalt  }
0x5b: {  	_ =	shalt  }
0x5c: {  	_ =	shalt  }
0x5d: {  	_ =	shalt  }
0x5e: {  	_ =	shalt  }
0x5f: {  	_ =	shalt  }
0x60: {  	_ =	shalt  }
0x61: {  	_ =	shalt  }
0x62: {  	_ =	shalt  }
0x63: {  	_ =	shalt  }
0x64: {  	_ =	shalt  }
0x65: {  	_ =	shalt  }
0x66: {  	_ =	shalt  }
0x67: {  	_ =	shalt  }
0x68: {  	_ =	shalt  }
0x69: {  	_ =	shalt  }
0x6a: {  	_ =	shalt  }
0x6b: {  	_ =	shalt  }
0x6c: {  	_ =	shalt  }
0x6d: {  	_ =	shalt  }
0x6e: {  	_ =	shalt  }
0x6f: {  	_ =	shalt  }
0x70: {  	_ =	shalt  }
0x71: {  	_ =	shalt  }
0x72: {  	_ =	shalt  }
0x73: {  	_ =	shalt  }
0x74: {  	_ =	shalt  }
0x75: {  	_ =	shalt  }
0x76: {  	_ =	shalt  }
0x77: {  	_ =	shalt  }
0x78: {  	_ =	shalt  }
0x79: {  	_ =	shalt  }
0x7a: {  	_ =	shalt  }
0x7b: {  	_ =	shalt  }
0x7c: {  	_ =	shalt  }
0x7d: {  	_ =	shalt  }
0x7e: {  	_ =	shalt  }
0x7f: {  	_ =	shalt  }
0x80: {  	_ =	shalt  }
0x81: {  	_ =	shalt  }
0x82: {  	_ =	shalt  }
0x83: {  	_ =	shalt  }
0x84: {  	_ =	shalt  }
0x85: {  	_ =	shalt  }
0x86: {  	_ =	shalt  }
0x87: {  	_ =	shalt  }
.Lfunc_end0:
.L_simem_size_0:
called_computation.1_lowered:
.L_overlay_start_0:
0x88: {  	s2 =	sld [smem:$0x3FD9]  }
0x89: {  	s3 =	sld [smem:$0x3FFE];
	_ =	sdelay $0x1  }
0x8a: {  	s1 =	srdreg.scid  }
0x8b: {  	s0 =	sand.u32 $0x1, s1  }
0x8c: {  	s17 =	sshll.u32 s0, $0xA;
	s2 =	sadd.s32 s3, s2  }
0x8d: {  	s2 =	sadd.s32 s2, s17  }
0x8e: {  	[smem:$0x3FC0] =	sst s2  }
0x8f: {  	_ = 	snop  }
0x90: {  	s2 =	sld [smem:$0x3FD0];
	(tm) =	ssettm $0x1  }
0x91: {  	s18 =	sld [smem:$0x3FFB];
	_ =	sdelay $0x3  }
0x92: {  	_ =	strace s18  }
0x93: {  	s3 =	sld [smem:$0x3FFC];
	_ =	sdelay $0x3  }
0x94: {  	_ =	strace s3  }
0x95: {  	s3 =	sld [smem:$0x3FFD];
	_ =	sdelay $0x3  }
0x96: {  	_ =	strace s3  }
0x97: {  	_ =	strace $0x8FFFFFFF  }
0x98: {  	s19 =	sld [smem:$0x3FDB];
	_ =	sdelay $0x1  }
0x99: {  	s4 =	simm.s32 $_scs_section_size  }
0x9a: {  	s5 =	simm.s32 $_size__tile_overlayer_lowered;
	s6 =	simm.s32 $_tile_overlayer_lowered  }
0x9b: {  	s22 =	simm.s32 $0x1BFF;
	s21 =	sshll.u32 s6, $0x1;
	s3 =	sadd.s32 s4, s19  }
0x9c: {  	s7 =	simm.s32 $0x0;
	s20 =	sshll.u32 s5, $0x1;
	s5 =	sadd.s32 s21, s3  }
0x9d: {  	[timem:s7], [sflag:s22] =	dma.local [hbm:s5], s20  }
0x9e: {  	_ =	swait.ge [sflag:s22], s20  }
0x9f: {  	s4 =	ssub.s32 $0x0, s20;
	[sflag:s22] =	ssyncset.done $0x0  }
0xa0: {  	[sflag:s22] =	ssyncadd.s32 s4;
	_ =	sdelay $0x1  }
0xa1: {  	s23 =	simm.s32 $0x1B8B  }
0xa2: {  	_ =	swait.ge [sflag:s23], $0x1  }
0xa3: {  	[sflag:s23] =	ssyncset.done $0x0  }
0xa4: {  	s25 =	simm.s32 $0x1B8E;
	s24 =	sld [smem:$0x3FFE];
	[sflag:s23] =	ssyncadd.s32 $0xFFFFFFFF  }
0xa5: {  	s26 =	simm.s32 $execute0_lowered;
	[smem:$0x3FD2] =	sst s25  }
0xa6: {  	s5 =	sshll.u32 s26, $0x1;
	_ =	strace $0x80000049;
	[dreg:$0x1] =	wrdreg $0xFFFFFFFF  }
0xa7: {  	s28 =	simm.s32 $_size_execute0_lowered;
	s3 =	sadd.s32 s3, s5;
	[dreg:$0x0] =	wrdreg $0x0  }
0xa8: {  	s5 =	sshll.u32 s28, $0x1;
	[dreg:$0x2] =	wrdreg s3  }
0xa9: {  	[dreg:$0x3] =	wrdreg s5  }
0xaa: {  	[dreg:$0x4] =	wrdreg $0xC0  }
0xab: {  	_ =	task [dreg:s7], $0x5FFFF  }
0xac: {  	[dreg:$0x1] =	wrdreg $0xFFFFFFFF  }
0xad: {  	[dreg:$0x0] =	wrdreg $0x60  }
0xae: {  	[dreg:$0x2] =	wrdreg s24  }
0xaf: {  	[dreg:$0x3] =	wrdreg s2  }
0xb0: {  	[dreg:$0x4] =	wrdreg $0xB5400  }
0xb1: {  	[dreg:$0x5] =	wrdreg $0x9  }
0xb2: {  	_ =	task.clear_ibuf [dreg:s7], $0x6FFFF;
	_ =	strace $0x90000049  }
0xb3: {  	s29 =	simm.s32 $0x9;
	_ =	strace $0x8000004B  }
0xb4: {  	_ =	swait.ge [sflag:s29], $0x1  }
0xb5: {  	[sflag:s29] =	ssyncadd.s32 $0xFFFFFFFF  }
0xb6: {  	_ =	strace $0x9000004B  }
0xb7: {  	_ =	sfence  }
0xb8: {  	s30 =	sld [smem:$0x0];
	_ =	sdelay $0x2  }
0xb9: {  	s31 =	sshll.u32 s1, $0xD;
	s1 =	sshrl.u32 s1, $0x2  }
0xba: {  	s3 =	sand.u32 $0x4000, s31;
	s1 =	sadd.s32 s1, s30  }
0xbb: {  	s0 =	sor.u32 s3, s0;
	s1 =	sshll.u32 s1, $0x11  }
0xbc: {  	s0 =	sor.u32 s1, s0  }
0xbd: {  	s0 =	sadd.s32 $0x8F2B, s0  }
0xbe: {  	[sflag:s0] =	ssyncadd.remote.s32 $0x1  }
0xbf: {  	_ =	sfence.sel $0xFFFF  }
0xc0: {  	[dreg:$0x0] =	wrdreg $0xFFFFFFFF;
	(pc) =	sbr.abs _section_cstart, $3  }
0xc1: {  	[dreg:$0x1] =	wrdreg $0xFFFFFFFF  }
0xc2: {  	_ =	task.clear_ibuf [dreg:s7], $0x2FFFF;
	_ =	strace $0x9FFFFFFF  }
0xc3: {  	(tm) =	ssettm $0x7FFFFFFF  }
tec
execute0_lowered:
.L_overlay_start_1:
0x0: {  	(tag) =	ssettag $0x1  }
0x1: {  	s5 =	rddreg [dreg:$0x0]  }
0x2: {  	s0 =	srdreg.scid;
	s6 =	rddreg [dreg:$0x1]  }
0x3: {  	s2 =	rddreg [dreg:$0x2];
	s1 =	stileid.u32  }
0x4: {  	s3 =	simm.s32 $0x0;
	s15 =	simm.s32 $0x8340;
	s16 =	simm.s32 $0x1  }
0x5: {  	s17 =	simm.s32 $0x2;
	s18 =	simm.s32 $0x2838;
	s19 =	simm.s32 $0x5070  }
0x6: {  	s20 =	simm.s32 $0x50D8;
	s7 =	sand.u32 $0x1, s0;
	s0 =	rddreg [dreg:$0x3]  }
0x7: {  	[smem:$0x7FF] =	sst s3;
	s9 =	smul.u32 $0x13880, s1;
	s31 =	sshll.u32 s1, $0x6  }
0x8: {  	s4 =	sshll.u32 s7, $0x4;
	_ =	strace $0x8000004A;
	s10 =	smul.u32 $0x27100, s7  }
0x9: {  	s7 =	ssub.s32 $0x2, s7;
	s4 =	sor.u32 s1, s4;
	s21 =	sshrl.u32 s9, $0x3  }
0xa: {  	s12 =	sshrl.u32 s7, $0x1;
	s14 =	sadd.s32 s9, s2;
	s9 =	simm.s32 $0x3  }
0xb: {  	s8 =	smul.u32 $0x514, s4;
	s4 =	sadd.s32 $0x1C600, s5;
	s13 =	sadd.s32 s21, s5  }
0xc: {  	s10 =	sadd.s32 s10, s5;
	s12 =	ssub.s32 s7, s12;
	s14 =	sshrl.u32 s14, $0x3  }
0xd: {  	s7 =	sadd.s32 $0x43800, s13;
	s22 =	sadd.s32 $0x6AA00, s10;
	s10 =	simm.s32 $0x28A0  }
0xe: {  	s13 =	sor.u32 $0x1C03, s31;
	s11 =	sadd.s32 s8, s5;
	s6 =	sadd.s32 s6, s8  }
0xf: {  	s8 =	smax.u32 s12, $0x1;
	s12 =	simm.s32 $0x5140;
	s21 =	sadd.s32 s21, s22  }
0x10: {  	s22 =	simm.s32 $0x0;
	s5 =	sadd.s32 $0x12200, s11;
	s11 =	simm.s32 $0x64  }
.LBB2_1:
0x11: {  	[tilespmem:s3], [sflag:$0x3] =	stream.linear.gather [hbm4b:s5+s3], $0x28A0, $0x38;
	[tilespmem:$0x1EDC0] =	vst v63  }
0x12: {  	_ =	swait.ge [sflag:s9], $0x28A0  }
0x13: {  	[sflag:s9] =	ssyncset.done $0x0  }
0x14: {  	[sflag:s9] =	ssyncadd.s32 $0xFFFFD760  }
0x15: {  	[tilespmem:s10], [sflag:$0x3] =	stream.linear.gather [hbm4b:s6+s3], $0x28A0, $0x38;
	[tilespmem:$0x1EDC0] =	vst v63  }
0x16: {  	_ =	swait.ge [sflag:s9], $0x28A0  }
0x17: {  	[sflag:s9] =	ssyncset.done $0x0  }
0x18: {  	[sflag:s9] =	ssyncadd.s32 $0xFFFFD760  }
0x19: {  	[tilespmem:s12], [sflag:$0x1] =	stream.indirect.gather [hbm4b:s4+s11], $0x80, s3, s11, $0xb8;
	[tilespmem:$0x1EDC0] =	vst v63  }
0x1a: {  	[spmem:s14], [sflag:s13] =	dma.local [hbm:s7], $0x2710  }
0x1b: {  	_ =	swait.ge [sflag:s9], $0x2710  }
0x1c: {  	[sflag:s9] =	ssyncset.done $0x0  }
0x1d: {  	[sflag:s9] =	ssyncadd.s32 $0xFFFFD8F0  }
0x1e: {  	s23 =	simm.s32 $0x68;
	[bflag:$0x0] =	sbarrier.arrive $0xFFFF  }
0x1f: {  	[tilespmem:s15], [sflag:$0x2] =	stream.indirect.gather [hbm4b:s4+s11], $0x80, s23, s11, $0xb8;
	[tilespmem:$0x1EDC0] =	vst v63  }
0x20: {  	_ =	swait.ge [sflag:s16], $0x3200  }
0x21: {  	[sflag:s16] =	ssyncset.done $0x0  }
0x22: {  	s29 =	simm.s32 $0x28A0;
	[sflag:s16] =	ssyncadd.s32 $0xFFFFCE00  }
0x23: {  	[spmem:s2] =	stream.indirect.scatter.add.f32 [tilespmem:s12], [sflag:$0x3], $0x80, s29, s11, $0xb8;
	[tilespmem:$0x1EDC0] =	vst v63  }
0x24: {  	_ =	swait.ge [sflag:s9], $0x3200  }
0x25: {  	[sflag:s9] =	ssyncset.done $0x0  }
0x26: {  	s30 =	simm.s32 $0xD0;
	[sflag:s9] =	ssyncadd.s32 $0xFFFFCE00  }
0x27: {  	[tilespmem:s12], [sflag:$0x1] =	stream.indirect.gather [hbm4b:s4+s11], $0x80, s30, s11, $0xb8;
	[tilespmem:$0x1EDC0] =	vst v63  }
0x28: {  	_ =	swait.ge [sflag:s17], $0x3200  }
0x29: {  	[sflag:s17] =	ssyncset.done $0x0  }
0x2a: {  	s31 =	simm.s32 $0x2908;
	[sflag:s17] =	ssyncadd.s32 $0xFFFFCE00  }
0x2b: {  	[spmem:s2] =	stream.indirect.scatter.add.f32 [tilespmem:s15], [sflag:$0x3], $0x80, s31, s11, $0xb8;
	[tilespmem:$0x1EDC0] =	vst v63  }
0x2c: {  	_ =	swait.ge [sflag:s9], $0x3200  }
0x2d: {  	s24 =	simm.s32 $0x680;
	s23 =	simm.s32 $0xD0;
	[sflag:s9] =	ssyncset.done $0x0  }
.LBB2_2:
0x2e: {  	s25 =	sadd.s32 $0x68, s23  }
0x2f: {  	[sflag:s9] =	ssyncadd.s32 $0xFFFFCE00;
	s26 =	smov.u32 s24;
	s28 =	sadd.s32 $0x340, s24  }
0x30: {  	[tilespmem:s15], [sflag:$0x2] =	stream.indirect.gather [hbm4b:s4+s11], $0x80, s25, s11, $0xb8;
	[tilespmem:$0x1EDC0] =	vst v63  }
0x31: {  	p0 =	sne.s32 s24, $0x9C00;
	_ =	swait.ge [sflag:s16], $0x3200  }
0x32: {  	[sflag:s16] =	ssyncset.done $0x0  }
0x33: {  	s24 =	sadd.s32 $0x28A0, s23;
	[sflag:s16] =	ssyncadd.s32 $0xFFFFCE00  }
0x34: {  	[spmem:s2] =	stream.indirect.scatter.add.f32 [tilespmem:s12], [sflag:$0x3], $0x80, s24, s11, $0xb8;
	[tilespmem:$0x1EDC0] =	vst v63  }
0x35: {  	_ =	swait.ge [sflag:s9], $0x3200  }
0x36: {  	[sflag:s9] =	ssyncset.done $0x0  }
0x37: {  	s24 =	sadd.s32 $0xD0, s23;
	[sflag:s9] =	ssyncadd.s32 $0xFFFFCE00  }
0x38: {  	[tilespmem:s12], [sflag:$0x1] =	stream.indirect.gather [hbm4b:s4+s11], $0x80, s24, s11, $0xb8;
	[tilespmem:$0x1EDC0] =	vst v63  }
0x39: {  	_ =	swait.ge [sflag:s17], $0x3200  }
.Ltmp0:
0x3a: {  	[sflag:s17] =	ssyncset.done $0x0;
	(pc) =	sbr.rel @p0 .LBB2_2-.Ltmp0, $4  }
0x3b: {  	s23 =	sadd.s32 $0x2908, s23;
	[sflag:s17] =	ssyncadd.s32 $0xFFFFCE00  }
0x3c: {  	[spmem:s2] =	stream.indirect.scatter.add.f32 [tilespmem:s15], [sflag:$0x3], $0x80, s23, s11, $0xb8;
	[tilespmem:$0x1EDC0] =	vst v63  }
0x3d: {  	_ =	swait.ge [sflag:s9], $0x3200  }
0x3e: {  	s24 =	smov.u32 s28;
	s23 =	sshra.s32 s26, $0x2;
	[sflag:s9] =	ssyncset.done $0x0  }
0x3f: {  	s24 =	sadd.s32 $0x68, s23;
	[sflag:s9] =	ssyncadd.s32 $0xFFFFCE00  }
0x40: {  	[tilespmem:s15], [sflag:$0x2] =	stream.indirect.gather [hbm4b:s4+s11], $0x80, s24, s11, $0xb8;
	[tilespmem:$0x1EDC0] =	vst v63  }
0x41: {  	_ =	swait.ge [sflag:s16], $0x3200  }
0x42: {  	[sflag:s16] =	ssyncset.done $0x0  }
0x43: {  	s29 =	sadd.s32 $0x28A0, s23;
	[sflag:s16] =	ssyncadd.s32 $0xFFFFCE00  }
0x44: {  	[spmem:s2] =	stream.indirect.scatter.add.f32 [tilespmem:s12], [sflag:$0x3], $0x80, s29, s11, $0xb8;
	[tilespmem:$0x1EDC0] =	vst v63  }
0x45: {  	_ =	swait.ge [sflag:s9], $0x3200  }
0x46: {  	[sflag:s9] =	ssyncset.done $0x0  }
0x47: {  	s30 =	sadd.s32 $0xD0, s23;
	[sflag:s9] =	ssyncadd.s32 $0xFFFFCE00  }
0x48: {  	[tilespmem:s12], [sflag:$0x1] =	stream.indirect.gather [hbm4b:s4+s11], $0x80, s30, s11, $0xb8;
	[tilespmem:$0x1EDC0] =	vst v63  }
0x49: {  	_ =	swait.ge [sflag:s17], $0x3200  }
0x4a: {  	[sflag:s17] =	ssyncset.done $0x0  }
0x4b: {  	s31 =	sadd.s32 $0x2908, s23;
	[sflag:s17] =	ssyncadd.s32 $0xFFFFCE00  }
0x4c: {  	[spmem:s2] =	stream.indirect.scatter.add.f32 [tilespmem:s15], [sflag:$0x3], $0x80, s31, s11, $0xb8;
	[tilespmem:$0x1EDC0] =	vst v63  }
0x4d: {  	_ =	swait.ge [sflag:s9], $0x3200  }
0x4e: {  	[sflag:s9] =	ssyncset.done $0x0  }
0x4f: {  	[sflag:s9] =	ssyncadd.s32 $0xFFFFCE00  }
0x50: {  	[tilespmem:s15], [sflag:$0x2] =	stream.indirect.gather [hbm4b:s4+s11], $0x80, s18, s11, $0xb8;
	[tilespmem:$0x1EDC0] =	vst v63  }
0x51: {  	_ =	swait.ge [sflag:s16], $0x3200  }
0x52: {  	[sflag:s16] =	ssyncset.done $0x0  }
0x53: {  	[sflag:s16] =	ssyncadd.s32 $0xFFFFCE00  }
0x54: {  	[spmem:s2] =	stream.indirect.scatter.add.f32 [tilespmem:s12], [sflag:$0x3], $0x80, s19, s11, $0xb8;
	[tilespmem:$0x1EDC0] =	vst v63  }
0x55: {  	_ =	swait.ge [sflag:s9], $0x3200  }
0x56: {  	[sflag:s9] =	ssyncset.done $0x0  }
0x57: {  	[sflag:s9] =	ssyncadd.s32 $0xFFFFCE00  }
0x58: {  	_ =	swait.ge [sflag:s17], $0x3200  }
0x59: {  	[sflag:s17] =	ssyncset.done $0x0  }
0x5a: {  	[sflag:s17] =	ssyncadd.s32 $0xFFFFCE00  }
0x5b: {  	[spmem:s2] =	stream.indirect.scatter.add.f32 [tilespmem:s15], [sflag:$0x3], $0x80, s20, s11, $0xb8;
	[tilespmem:$0x1EDC0] =	vst v63  }
0x5c: {  	_ =	swait.ge [sflag:s9], $0x3200  }
0x5d: {  	s22 =	sadd.s32 $0x1, s22;
	[sflag:s9] =	ssyncset.done $0x0  }
0x5e: {  	p0 =	sne.s32 s22, s8;
	[sflag:s9] =	ssyncadd.s32 $0xFFFFCE00  }
.Ltmp1:
0x5f: {  	[bflag:$0x0] =	sbarrier.arrive $0xFFFF;
	(pc) =	sbr.rel @p0 .LBB2_1-.Ltmp1, $4  }
0x60: {  	[hbm:s21], [sflag:s13] =	dma.local [spmem:s14], $0x2710  }
0x61: {  	_ =	swait.ge [sflag:s9], $0x2710  }
0x62: {  	[sflag:s9] =	ssyncset.done $0x0  }
0x63: {  	[sflag:s9] =	ssyncadd.s32 $0xFFFFD8F0  }
0x64: {  	_ =	sfence.sel $0x180000  }
0x65: {  	[bflag:$0x0] =	sbarrier.arrive $0xFFFF  }
0x66: {  	p0 =	sne.s32 s1, $0x0;
	_ =	strace $0x9000004A  }
0x67: {  	s0 =	sadd.s32 @!p0 $0x100000, s0;
	[bflag:$0x2] =	sbarrier.arrive $0xFFFF  }
0x68: {  	[sflag:s0] =	ssyncadd.tile.s32 @!p0 $0x1;
	_ =	shalt  }
.Lfunc_end2:
_tile_overlayer_lowered:
.L_overlay_start_2:
0x69: {  	(tag) =	ssettag $0x2  }
0x6a: {  	s0 =	rddreg [dreg:$0x0];
	s2 =	stileid.u32  }
0x6b: {  	s1 =	rddreg [dreg:$0x1];
	p0 =	sne.s32 s2, $0x0  }
0x6c: {  	s3 =	rddreg [dreg:$0x2];
	[bflag:$0x3] =	sbarrier.arrive $0xFFFF;
	s2 =	simm.s32 @!p0 $0x1C03  }
0x6d: {  	[timem:s3], [sflag:s2] =	dma.local @!p0 [hbm:s0], s1  }
0x6e: {  	s0 =	simm.s32 @!p0 $0x3  }
0x6f: {  	_ =	swait.ge @!p0 [sflag:s0], s1  }
0x70: {  	s1 =	ssub.s32 @!p0 $0x0, s1;
	[sflag:s0] =	ssyncset.done @!p0 $0x0  }
0x71: {  	[sflag:s0] =	ssyncadd.s32 @!p0 s1  }
0x72: {  	[bflag:$0x3] =	sbarrier.arrive $0xFFFF  }
0x73: {  	_ =	shalt  }

// kernel: kernel.16.cloned.1.call-start
scs
__scs_entry_jumppad:
0x0: {  	(pc) =	sbr.rel $0x88, $3  }
0x1: {  	(tag) =	ssettag $0x0;
	lr =	simm.s32 $0x1  }
0x2: {  	[smem:$0x3F99] =	sst lr;
	_ =	strace $0xD0000000  }
0x3: {  	_ = 	snop  }
0x4: {  	_ = 	snop  }
0x5: {  	_ = 	snop  }
0x6: {  	_ = 	snop  }
0x7: {  	_ = 	snop  }
__scs_overlays_trampoline_lowered:
0x8: {  	[smem:$0x3FA8] =	sst s0  }
0x9: {  	[smem:$0x3FA9] =	sst s1  }
0xa: {  	[smem:$0x3FAA] =	sst s2  }
0xb: {  	[smem:$0x3FAB] =	sst s3  }
0xc: {  	[smem:$0x3FAC] =	sst s4  }
0xd: {  	[smem:$0x3FAD] =	sst s5  }
0xe: {  	[smem:$0x3FAE] =	sst s6  }
0xf: {  	[smem:$0x3FAF] =	sst s7  }
0x10: {  	[smem:$0x3FB0] =	sst s8  }
0x11: {  	[smem:$0x3FB1] =	sst s9;
	s0 =	simm.s32 @!p0 $0x0  }
0x12: {  	s1 =	sld [smem:$0x3F97];
	s0 =	simm.s32 @p0 $0x1  }
0x13: {  	[smem:$0x3FB2] =	sst s0;
	s0 =	simm.s32 @!p1 $0x0  }
0x14: {  	s2 =	sld [smem:$0x3F96];
	s0 =	simm.s32 @p1 $0x1  }
0x15: {  	[smem:$0x3FB3] =	sst s0;
	s0 =	simm.s32 @!p2 $0x0  }
0x16: {  	s3 =	sld [smem:$0x3FDB];
	s0 =	simm.s32 @p2 $0x1  }
0x17: {  	s4 =	simm.s32 $0x1BF5;
	[smem:$0x3FB5] =	sst s0  }
0x18: {  	s0 =	sld [smem:$0x3F98];
	_ =	swait.ge [sflag:s4], $0x0  }
0x19: {  	s7 =	sld [smem:$0x3F99]  }
0x1a: {  	s8 =	sadd.s32 $0xFFFFE003, lr  }
0x1b: {  	s9 =	sadd.s32 $0xFFFFFEF7, lr;
	s5 =	simm.s32 $0xFFFFFFFF;
	p2 =	slt.u32 s8, $0xFFFFF086  }
0x1c: {  	p1 =	slt.u32 s9, $0xF7A;
	s5 =	simm.s32 @!p2 $0x0  }
0x1d: {  	s5 =	simm.s32 @p1 $0x1;
	p0 =	seq.s32 s7, s2  }
0x1e: {  	s7 =	smul.u32 @!p0 $0xF7A, s2;
	p2 =	seq.s32 @!p0 s5, $0x0  }
0x1f: {  	s9 =	smul.u32 $0xF7A, s1;
	s8 =	simm.s32 @!p0 $0x1BF5;
	p2 =	por !p2, p0  }
0x20: {  	[sflag:s8] =	ssyncset.s32 @!p0 $0xFFFFF086;
	s6 =	sadd.s32 @!p0 s3, s7;
	s7 =	simm.s32 @!p0 $0x108  }
0x21: {  	s3 =	sadd.s32 s3, s9;
	s6 =	sadd.s32 @!p0 $0x88, s6;
	s7 =	simm.s32 @p2 $0x1082  }
0x22: {  	[simem:s7], [sflag:s8] =	dma.local @!p0 [hbm:s6], $0xF7A  }
0x23: {  	s9 =	sor.u32 $0xD0000000, s2;
	s6 =	simm.s32 $0x108;
	_ =	swait.ge @!p0 [sflag:s8], $0x0  }
0x24: {  	s3 =	sadd.s32 $0x88, s3;
	s6 =	simm.s32 @!p1 $0x1082;
	[sflag:s4] =	ssyncset.s32 $0xFFFFF086  }
0x25: {  	[simem:s6], [sflag:s4] =	dma.local [hbm:s3], $0xF7A  }
0x26: {  	[smem:$0x3F99] =	sst s1;
	(tag) =	ssettag s2;
	_ =	strace s9  }
0x27: {  	s1 =	sld [smem:$0x3FA9]  }
0x28: {  	s2 =	sld [smem:$0x3FAA]  }
0x29: {  	s4 =	sld [smem:$0x3FAC]  }
0x2a: {  	p0 =	seq.s32 s5, $0x0;
	s5 =	sld [smem:$0x3FAD]  }
0x2b: {  	s6 =	sld [smem:$0x3FAE]  }
0x2c: {  	s7 =	sld [smem:$0x3FAF]  }
0x2d: {  	s3 =	simm.s32 $0x108;
	s8 =	sld [smem:$0x3FB0]  }
0x2e: {  	s3 =	simm.s32 @!p0 $0x1082;
	s9 =	sld [smem:$0x3FB1]  }
0x2f: {  	lr =	sadd.s32 s0, s3;
	s0 =	sld [smem:$0x3FA8]  }
0x30: {  	s3 =	sld [smem:$0x3FAB]  }
0x31: {  	[smem:$0x3FB4] =	sst s10  }
0x32: {  	s10 =	sld [smem:$0x3FB2];
	_ =	sdelay $0x3  }
0x33: {  	p0 =	seq.s32 s10, $0x1;
	s10 =	sld [smem:$0x3FB4];
	_ =	sdelay $0x3  }
0x34: {  	[smem:$0x3FB4] =	sst s10  }
0x35: {  	s10 =	sld [smem:$0x3FB3];
	_ =	sdelay $0x3  }
0x36: {  	p1 =	seq.s32 s10, $0x1;
	s10 =	sld [smem:$0x3FB4];
	_ =	sdelay $0x3  }
0x37: {  	[smem:$0x3FB4] =	sst s10  }
0x38: {  	s10 =	sld [smem:$0x3FB5]  }
0x39: {  	_ = 	snop;
	(pc) =	sbr.ind lr, $3  }
0x3a: {  	_ = 	snop  }
0x3b: {  	_ = 	snop  }
0x3c: {  	p2 =	seq.s32 s10, $0x1;
	s10 =	sld [smem:$0x3FB4]  }
0x3d: {  	_ =	shalt  }
0x3e: {  	_ =	shalt  }
0x3f: {  	_ =	shalt  }
0x40: {  	_ =	shalt  }
0x41: {  	_ =	shalt  }
0x42: {  	_ =	shalt  }
0x43: {  	_ =	shalt  }
0x44: {  	_ =	shalt  }
0x45: {  	_ =	shalt  }
0x46: {  	_ =	shalt  }
0x47: {  	_ =	shalt  }
0x48: {  	_ =	shalt  }
0x49: {  	_ =	shalt  }
0x4a: {  	_ =	shalt  }
0x4b: {  	_ =	shalt  }
0x4c: {  	_ =	shalt  }
0x4d: {  	_ =	shalt  }
0x4e: {  	_ =	shalt  }
0x4f: {  	_ =	shalt  }
0x50: {  	_ =	shalt  }
0x51: {  	_ =	shalt  }
0x52: {  	_ =	shalt  }
0x53: {  	_ =	shalt  }
0x54: {  	_ =	shalt  }
0x55: {  	_ =	shalt  }
0x56: {  	_ =	shalt  }
0x57: {  	_ =	shalt  }
0x58: {  	_ =	shalt  }
0x59: {  	_ =	shalt  }
0x5a: {  	_ =	shalt  }
0x5b: {  	_ =	shalt  }
0x5c: {  	_ =	shalt  }
0x5d: {  	_ =	shalt  }
0x5e: {  	_ =	shalt  }
0x5f: {  	_ =	shalt  }
0x60: {  	_ =	shalt  }
0x61: {  	_ =	shalt  }
0x62: {  	_ =	shalt  }
0x63: {  	_ =	shalt  }
0x64: {  	_ =	shalt  }
0x65: {  	_ =	shalt  }
0x66: {  	_ =	shalt  }
0x67: {  	_ =	shalt  }
0x68: {  	_ =	shalt  }
0x69: {  	_ =	shalt  }
0x6a: {  	_ =	shalt  }
0x6b: {  	_ =	shalt  }
0x6c: {  	_ =	shalt  }
0x6d: {  	_ =	shalt  }
0x6e: {  	_ =	shalt  }
0x6f: {  	_ =	shalt  }
0x70: {  	_ =	shalt  }
0x71: {  	_ =	shalt  }
0x72: {  	_ =	shalt  }
0x73: {  	_ =	shalt  }
0x74: {  	_ =	shalt  }
0x75: {  	_ =	shalt  }
0x76: {  	_ =	shalt  }
0x77: {  	_ =	shalt  }
0x78: {  	_ =	shalt  }
0x79: {  	_ =	shalt  }
0x7a: {  	_ =	shalt  }
0x7b: {  	_ =	shalt  }
0x7c: {  	_ =	shalt  }
0x7d: {  	_ =	shalt  }
0x7e: {  	_ =	shalt  }
0x7f: {  	_ =	shalt  }
0x80: {  	_ =	shalt  }
0x81: {  	_ =	shalt  }
0x82: {  	_ =	shalt  }
0x83: {  	_ =	shalt  }
0x84: {  	_ =	shalt  }
0x85: {  	_ =	shalt  }
0x86: {  	_ =	shalt  }
0x87: {  	_ =	shalt  }
.Lfunc_end0:
.L_simem_size_0:
called_computation.2_lowered:
.L_overlay_start_0:
0x88: {  	s2 =	sld [smem:$0x3FD9]  }
0x89: {  	s3 =	sld [smem:$0x3FFE];
	_ =	sdelay $0x1  }
0x8a: {  	s1 =	srdreg.scid  }
0x8b: {  	s0 =	sand.u32 $0x1, s1  }
0x8c: {  	s17 =	sshll.u32 s0, $0xA;
	s2 =	sadd.s32 s3, s2  }
0x8d: {  	s2 =	sadd.s32 s2, s17  }
0x8e: {  	[smem:$0x3FC0] =	sst s2  }
0x8f: {  	_ = 	snop  }
0x90: {  	s2 =	sld [smem:$0x3FD0];
	(tm) =	ssettm $0x1  }
0x91: {  	s18 =	sld [smem:$0x3FFB];
	_ =	sdelay $0x3  }
0x92: {  	_ =	strace s18  }
0x93: {  	s3 =	sld [smem:$0x3FFC];
	_ =	sdelay $0x3  }
0x94: {  	_ =	strace s3  }
0x95: {  	s3 =	sld [smem:$0x3FFD];
	_ =	sdelay $0x3  }
0x96: {  	_ =	strace s3  }
0x97: {  	_ =	strace $0x8FFFFFFF  }
0x98: {  	s19 =	sld [smem:$0x3FDB];
	_ =	sdelay $0x1  }
0x99: {  	s4 =	simm.s32 $_scs_section_size  }
0x9a: {  	s5 =	simm.s32 $_size__tile_overlayer_lowered;
	s6 =	simm.s32 $_tile_overlayer_lowered  }
0x9b: {  	s22 =	simm.s32 $0x1BFF;
	s21 =	sshll.u32 s6, $0x1;
	s3 =	sadd.s32 s4, s19  }
0x9c: {  	s7 =	simm.s32 $0x0;
	s20 =	sshll.u32 s5, $0x1;
	s5 =	sadd.s32 s21, s3  }
0x9d: {  	[timem:s7], [sflag:s22] =	dma.local [hbm:s5], s20  }
0x9e: {  	_ =	swait.ge [sflag:s22], s20  }
0x9f: {  	s4 =	ssub.s32 $0x0, s20;
	[sflag:s22] =	ssyncset.done $0x0  }
0xa0: {  	[sflag:s22] =	ssyncadd.s32 s4;
	_ =	sdelay $0x1  }
0xa1: {  	s23 =	simm.s32 $0x1B8B  }
0xa2: {  	_ =	swait.ge [sflag:s23], $0x1  }
0xa3: {  	[sflag:s23] =	ssyncset.done $0x0  }
0xa4: {  	s25 =	simm.s32 $0x1B8E;
	s24 =	sld [smem:$0x3FFE];
	[sflag:s23] =	ssyncadd.s32 $0xFFFFFFFF  }
0xa5: {  	s26 =	simm.s32 $execute0_lowered;
	[smem:$0x3FD2] =	sst s25  }
0xa6: {  	s5 =	sshll.u32 s26, $0x1;
	_ =	strace $0x8000004C;
	[dreg:$0x1] =	wrdreg $0xFFFFFFFF  }
0xa7: {  	s28 =	simm.s32 $_size_execute0_lowered;
	s3 =	sadd.s32 s3, s5;
	[dreg:$0x0] =	wrdreg $0x0  }
0xa8: {  	s5 =	sshll.u32 s28, $0x1;
	[dreg:$0x2] =	wrdreg s3  }
0xa9: {  	[dreg:$0x3] =	wrdreg s5  }
0xaa: {  	[dreg:$0x4] =	wrdreg $0xC0  }
0xab: {  	_ =	task [dreg:s7], $0x5FFFF  }
0xac: {  	[dreg:$0x1] =	wrdreg $0xFFFFFFFF  }
0xad: {  	[dreg:$0x0] =	wrdreg $0x60  }
0xae: {  	[dreg:$0x2] =	wrdreg s24  }
0xaf: {  	[dreg:$0x3] =	wrdreg s2  }
0xb0: {  	[dreg:$0x4] =	wrdreg $0xB5400  }
0xb1: {  	[dreg:$0x5] =	wrdreg $0x9  }
0xb2: {  	_ =	task.clear_ibuf [dreg:s7], $0x6FFFF;
	_ =	strace $0x9000004C  }
0xb3: {  	s29 =	simm.s32 $0x9;
	_ =	strace $0x8000004E  }
0xb4: {  	_ =	swait.ge [sflag:s29], $0x1  }
0xb5: {  	[sflag:s29] =	ssyncadd.s32 $0xFFFFFFFF  }
0xb6: {  	_ =	strace $0x9000004E  }
0xb7: {  	_ =	sfence  }
0xb8: {  	s30 =	sld [smem:$0x0];
	_ =	sdelay $0x2  }
0xb9: {  	s31 =	sshll.u32 s1, $0xD;
	s1 =	sshrl.u32 s1, $0x2  }
0xba: {  	s3 =	sand.u32 $0x4000, s31;
	s1 =	sadd.s32 s1, s30  }
0xbb: {  	s0 =	sor.u32 s3, s0;
	s1 =	sshll.u32 s1, $0x11  }
0xbc: {  	s0 =	sor.u32 s1, s0  }
0xbd: {  	s0 =	sadd.s32 $0x8F2B, s0  }
0xbe: {  	[sflag:s0] =	ssyncadd.remote.s32 $0x1  }
0xbf: {  	_ =	sfence.sel $0xFFFF  }
0xc0: {  	[dreg:$0x0] =	wrdreg $0xFFFFFFFF;
	(pc) =	sbr.abs _section_cstart, $3  }
0xc1: {  	[dreg:$0x1] =	wrdreg $0xFFFFFFFF  }
0xc2: {  	_ =	task.clear_ibuf [dreg:s7], $0x2FFFF;
	_ =	strace $0x9FFFFFFF  }
0xc3: {  	(tm) =	ssettm $0x7FFFFFFF  }
tec
execute0_lowered:
.L_overlay_start_1:
0x0: {  	(tag) =	ssettag $0x1  }
0x1: {  	s5 =	rddreg [dreg:$0x0]  }
0x2: {  	s0 =	srdreg.scid;
	s6 =	rddreg [dreg:$0x1]  }
0x3: {  	s2 =	rddreg [dreg:$0x2];
	s1 =	stileid.u32  }
0x4: {  	s3 =	simm.s32 $0x0;
	s15 =	simm.s32 $0x8340;
	s16 =	simm.s32 $0x1  }
0x5: {  	s17 =	simm.s32 $0x2;
	s18 =	simm.s32 $0x2838;
	s19 =	simm.s32 $0x5070  }
0x6: {  	s20 =	simm.s32 $0x50D8;
	s7 =	sand.u32 $0x1, s0;
	s0 =	rddreg [dreg:$0x3]  }
0x7: {  	[smem:$0x7FF] =	sst s3;
	s9 =	smul.u32 $0x13880, s1;
	s31 =	sshll.u32 s1, $0x6  }
0x8: {  	s4 =	sshll.u32 s7, $0x4;
	_ =	strace $0x8000004D;
	s10 =	smul.u32 $0x27100, s7  }
0x9: {  	s7 =	ssub.s32 $0x2, s7;
	s4 =	sor.u32 s1, s4;
	s21 =	sshrl.u32 s9, $0x3  }
0xa: {  	s12 =	sshrl.u32 s7, $0x1;
	s14 =	sadd.s32 s9, s2;
	s9 =	simm.s32 $0x3  }
0xb: {  	s8 =	smul.u32 $0x514, s4;
	s4 =	sadd.s32 $0x1C600, s5;
	s13 =	sadd.s32 s21, s5  }
0xc: {  	s10 =	sadd.s32 s10, s5;
	s12 =	ssub.s32 s7, s12;
	s14 =	sshrl.u32 s14, $0x3  }
0xd: {  	s7 =	sadd.s32 $0x43800, s13;
	s22 =	sadd.s32 $0x6AA00, s10;
	s10 =	simm.s32 $0x28A0  }
0xe: {  	s13 =	sor.u32 $0x1C03, s31;
	s11 =	sadd.s32 s8, s5;
	s6 =	sadd.s32 s6, s8  }
0xf: {  	s8 =	smax.u32 s12, $0x1;
	s12 =	simm.s32 $0x5140;
	s21 =	sadd.s32 s21, s22  }
0x10: {  	s22 =	simm.s32 $0x0;
	s5 =	sadd.s32 $0x12200, s11;
	s11 =	simm.s32 $0x64  }
.LBB2_1:
0x11: {  	[tilespmem:s3], [sflag:$0x3] =	stream.linear.gather [hbm4b:s5+s3], $0x28A0, $0x38;
	[tilespmem:$0x1EDC0] =	vst v63  }
0x12: {  	_ =	swait.ge [sflag:s9], $0x28A0  }
0x13: {  	[sflag:s9] =	ssyncset.done $0x0  }
0x14: {  	[sflag:s9] =	ssyncadd.s32 $0xFFFFD760  }
0x15: {  	[tilespmem:s10], [sflag:$0x3] =	stream.linear.gather [hbm4b:s6+s3], $0x28A0, $0x38;
	[tilespmem:$0x1EDC0] =	vst v63  }
0x16: {  	_ =	swait.ge [sflag:s9], $0x28A0  }
0x17: {  	[sflag:s9] =	ssyncset.done $0x0  }
0x18: {  	[sflag:s9] =	ssyncadd.s32 $0xFFFFD760  }
0x19: {  	[tilespmem:s12], [sflag:$0x1] =	stream.indirect.gather [hbm4b:s4+s11], $0x80, s3, s11, $0xb8;
	[tilespmem:$0x1EDC0] =	vst v63  }
0x1a: {  	[spmem:s14], [sflag:s13] =	dma.local [hbm:s7], $0x2710  }
0x1b: {  	_ =	swait.ge [sflag:s9], $0x2710  }
0x1c: {  	[sflag:s9] =	ssyncset.done $0x0  }
0x1d: {  	[sflag:s9] =	ssyncadd.s32 $0xFFFFD8F0  }
0x1e: {  	s23 =	simm.s32 $0x68;
	[bflag:$0x0] =	sbarrier.arrive $0xFFFF  }
0x1f: {  	[tilespmem:s15], [sflag:$0x2] =	stream.indirect.gather [hbm4b:s4+s11], $0x80, s23, s11, $0xb8;
	[tilespmem:$0x1EDC0] =	vst v63  }
0x20: {  	_ =	swait.ge [sflag:s16], $0x3200  }
0x21: {  	[sflag:s16] =	ssyncset.done $0x0  }
0x22: {  	s29 =	simm.s32 $0x28A0;
	[sflag:s16] =	ssyncadd.s32 $0xFFFFCE00  }
0x23: {  	[spmem:s2] =	stream.indirect.scatter.add.f32 [tilespmem:s12], [sflag:$0x3], $0x80, s29, s11, $0xb8;
	[tilespmem:$0x1EDC0] =	vst v63  }
0x24: {  	_ =	swait.ge [sflag:s9], $0x3200  }
0x25: {  	[sflag:s9] =	ssyncset.done $0x0  }
0x26: {  	s30 =	simm.s32 $0xD0;
	[sflag:s9] =	ssyncadd.s32 $0xFFFFCE00  }
0x27: {  	[tilespmem:s12], [sflag:$0x1] =	stream.indirect.gather [hbm4b:s4+s11], $0x80, s30, s11, $0xb8;
	[tilespmem:$0x1EDC0] =	vst v63  }
0x28: {  	_ =	swait.ge [sflag:s17], $0x3200  }
0x29: {  	[sflag:s17] =	ssyncset.done $0x0  }
0x2a: {  	s31 =	simm.s32 $0x2908;
	[sflag:s17] =	ssyncadd.s32 $0xFFFFCE00  }
0x2b: {  	[spmem:s2] =	stream.indirect.scatter.add.f32 [tilespmem:s15], [sflag:$0x3], $0x80, s31, s11, $0xb8;
	[tilespmem:$0x1EDC0] =	vst v63  }
0x2c: {  	_ =	swait.ge [sflag:s9], $0x3200  }
0x2d: {  	s24 =	simm.s32 $0x680;
	s23 =	simm.s32 $0xD0;
	[sflag:s9] =	ssyncset.done $0x0  }
.LBB2_2:
0x2e: {  	s25 =	sadd.s32 $0x68, s23  }
0x2f: {  	[sflag:s9] =	ssyncadd.s32 $0xFFFFCE00;
	s26 =	smov.u32 s24;
	s28 =	sadd.s32 $0x340, s24  }
0x30: {  	[tilespmem:s15], [sflag:$0x2] =	stream.indirect.gather [hbm4b:s4+s11], $0x80, s25, s11, $0xb8;
	[tilespmem:$0x1EDC0] =	vst v63  }
0x31: {  	p0 =	sne.s32 s24, $0x9C00;
	_ =	swait.ge [sflag:s16], $0x3200  }
0x32: {  	[sflag:s16] =	ssyncset.done $0x0  }
0x33: {  	s24 =	sadd.s32 $0x28A0, s23;
	[sflag:s16] =	ssyncadd.s32 $0xFFFFCE00  }
0x34: {  	[spmem:s2] =	stream.indirect.scatter.add.f32 [tilespmem:s12], [sflag:$0x3], $0x80, s24, s11, $0xb8;
	[tilespmem:$0x1EDC0] =	vst v63  }
0x35: {  	_ =	swait.ge [sflag:s9], $0x3200  }
0x36: {  	[sflag:s9] =	ssyncset.done $0x0  }
0x37: {  	s24 =	sadd.s32 $0xD0, s23;
	[sflag:s9] =	ssyncadd.s32 $0xFFFFCE00  }
0x38: {  	[tilespmem:s12], [sflag:$0x1] =	stream.indirect.gather [hbm4b:s4+s11], $0x80, s24, s11, $0xb8;
	[tilespmem:$0x1EDC0] =	vst v63  }
0x39: {  	_ =	swait.ge [sflag:s17], $0x3200  }
.Ltmp0:
0x3a: {  	[sflag:s17] =	ssyncset.done $0x0;
	(pc) =	sbr.rel @p0 .LBB2_2-.Ltmp0, $4  }
0x3b: {  	s23 =	sadd.s32 $0x2908, s23;
	[sflag:s17] =	ssyncadd.s32 $0xFFFFCE00  }
0x3c: {  	[spmem:s2] =	stream.indirect.scatter.add.f32 [tilespmem:s15], [sflag:$0x3], $0x80, s23, s11, $0xb8;
	[tilespmem:$0x1EDC0] =	vst v63  }
0x3d: {  	_ =	swait.ge [sflag:s9], $0x3200  }
0x3e: {  	s24 =	smov.u32 s28;
	s23 =	sshra.s32 s26, $0x2;
	[sflag:s9] =	ssyncset.done $0x0  }
0x3f: {  	s24 =	sadd.s32 $0x68, s23;
	[sflag:s9] =	ssyncadd.s32 $0xFFFFCE00  }
0x40: {  	[tilespmem:s15], [sflag:$0x2] =	stream.indirect.gather [hbm4b:s4+s11], $0x80, s24, s11, $0xb8;
	[tilespmem:$0x1EDC0] =	vst v63  }
0x41: {  	_ =	swait.ge [sflag:s16], $0x3200  }
0x42: {  	[sflag:s16] =	ssyncset.done $0x0  }
0x43: {  	s29 =	sadd.s32 $0x28A0, s23;
	[sflag:s16] =	ssyncadd.s32 $0xFFFFCE00  }
0x44: {  	[spmem:s2] =	stream.indirect.scatter.add.f32 [tilespmem:s12], [sflag:$0x3], $0x80, s29, s11, $0xb8;
	[tilespmem:$0x1EDC0] =	vst v63  }
0x45: {  	_ =	swait.ge [sflag:s9], $0x3200  }
0x46: {  	[sflag:s9] =	ssyncset.done $0x0  }
0x47: {  	s30 =	sadd.s32 $0xD0, s23;
	[sflag:s9] =	ssyncadd.s32 $0xFFFFCE00  }
0x48: {  	[tilespmem:s12], [sflag:$0x1] =	stream.indirect.gather [hbm4b:s4+s11], $0x80, s30, s11, $0xb8;
	[tilespmem:$0x1EDC0] =	vst v63  }
0x49: {  	_ =	swait.ge [sflag:s17], $0x3200  }
0x4a: {  	[sflag:s17] =	ssyncset.done $0x0  }
0x4b: {  	s31 =	sadd.s32 $0x2908, s23;
	[sflag:s17] =	ssyncadd.s32 $0xFFFFCE00  }
0x4c: {  	[spmem:s2] =	stream.indirect.scatter.add.f32 [tilespmem:s15], [sflag:$0x3], $0x80, s31, s11, $0xb8;
	[tilespmem:$0x1EDC0] =	vst v63  }
0x4d: {  	_ =	swait.ge [sflag:s9], $0x3200  }
0x4e: {  	[sflag:s9] =	ssyncset.done $0x0  }
0x4f: {  	[sflag:s9] =	ssyncadd.s32 $0xFFFFCE00  }
0x50: {  	[tilespmem:s15], [sflag:$0x2] =	stream.indirect.gather [hbm4b:s4+s11], $0x80, s18, s11, $0xb8;
	[tilespmem:$0x1EDC0] =	vst v63  }
0x51: {  	_ =	swait.ge [sflag:s16], $0x3200  }
0x52: {  	[sflag:s16] =	ssyncset.done $0x0  }
0x53: {  	[sflag:s16] =	ssyncadd.s32 $0xFFFFCE00  }
0x54: {  	[spmem:s2] =	stream.indirect.scatter.add.f32 [tilespmem:s12], [sflag:$0x3], $0x80, s19, s11, $0xb8;
	[tilespmem:$0x1EDC0] =	vst v63  }
0x55: {  	_ =	swait.ge [sflag:s9], $0x3200  }
0x56: {  	[sflag:s9] =	ssyncset.done $0x0  }
0x57: {  	[sflag:s9] =	ssyncadd.s32 $0xFFFFCE00  }
0x58: {  	_ =	swait.ge [sflag:s17], $0x3200  }
0x59: {  	[sflag:s17] =	ssyncset.done $0x0  }
0x5a: {  	[sflag:s17] =	ssyncadd.s32 $0xFFFFCE00  }
0x5b: {  	[spmem:s2] =	stream.indirect.scatter.add.f32 [tilespmem:s15], [sflag:$0x3], $0x80, s20, s11, $0xb8;
	[tilespmem:$0x1EDC0] =	vst v63  }
0x5c: {  	_ =	swait.ge [sflag:s9], $0x3200  }
0x5d: {  	s22 =	sadd.s32 $0x1, s22;
	[sflag:s9] =	ssyncset.done $0x0  }
0x5e: {  	p0 =	sne.s32 s22, s8;
	[sflag:s9] =	ssyncadd.s32 $0xFFFFCE00  }
.Ltmp1:
0x5f: {  	[bflag:$0x0] =	sbarrier.arrive $0xFFFF;
	(pc) =	sbr.rel @p0 .LBB2_1-.Ltmp1, $4  }
0x60: {  	[hbm:s21], [sflag:s13] =	dma.local [spmem:s14], $0x2710  }
0x61: {  	_ =	swait.ge [sflag:s9], $0x2710  }
0x62: {  	[sflag:s9] =	ssyncset.done $0x0  }
0x63: {  	[sflag:s9] =	ssyncadd.s32 $0xFFFFD8F0  }
0x64: {  	_ =	sfence.sel $0x180000  }
0x65: {  	[bflag:$0x0] =	sbarrier.arrive $0xFFFF  }
0x66: {  	p0 =	sne.s32 s1, $0x0;
	_ =	strace $0x9000004D  }
0x67: {  	s0 =	sadd.s32 @!p0 $0x100000, s0;
	[bflag:$0x2] =	sbarrier.arrive $0xFFFF  }
0x68: {  	[sflag:s0] =	ssyncadd.tile.s32 @!p0 $0x1;
	_ =	shalt  }
.Lfunc_end2:
_tile_overlayer_lowered:
.L_overlay_start_2:
0x69: {  	(tag) =	ssettag $0x2  }
0x6a: {  	s0 =	rddreg [dreg:$0x0];
	s2 =	stileid.u32  }
0x6b: {  	s1 =	rddreg [dreg:$0x1];
	p0 =	sne.s32 s2, $0x0  }
0x6c: {  	s3 =	rddreg [dreg:$0x2];
	[bflag:$0x3] =	sbarrier.arrive $0xFFFF;
	s2 =	simm.s32 @!p0 $0x1C03  }
0x6d: {  	[timem:s3], [sflag:s2] =	dma.local @!p0 [hbm:s0], s1  }
0x6e: {  	s0 =	simm.s32 @!p0 $0x3  }
0x6f: {  	_ =	swait.ge @!p0 [sflag:s0], s1  }
0x70: {  	s1 =	ssub.s32 @!p0 $0x0, s1;
	[sflag:s0] =	ssyncset.done @!p0 $0x0  }
0x71: {  	[sflag:s0] =	ssyncadd.s32 @!p0 s1  }
0x72: {  	[bflag:$0x3] =	sbarrier.arrive $0xFFFF  }
0x73: {  	_ =	shalt  }

// kernel: kernel.19.cloned.1.call-start
scs
__scs_entry_jumppad:
0x0: {  	(pc) =	sbr.rel $0x88, $3  }
0x1: {  	(tag) =	ssettag $0x0;
	lr =	simm.s32 $0x1  }
0x2: {  	[smem:$0x3F99] =	sst lr;
	_ =	strace $0xD0000000  }
0x3: {  	_ = 	snop  }
0x4: {  	_ = 	snop  }
0x5: {  	_ = 	snop  }
0x6: {  	_ = 	snop  }
0x7: {  	_ = 	snop  }
__scs_overlays_trampoline_lowered:
0x8: {  	[smem:$0x3FA8] =	sst s0  }
0x9: {  	[smem:$0x3FA9] =	sst s1  }
0xa: {  	[smem:$0x3FAA] =	sst s2  }
0xb: {  	[smem:$0x3FAB] =	sst s3  }
0xc: {  	[smem:$0x3FAC] =	sst s4  }
0xd: {  	[smem:$0x3FAD] =	sst s5  }
0xe: {  	[smem:$0x3FAE] =	sst s6  }
0xf: {  	[smem:$0x3FAF] =	sst s7  }
0x10: {  	[smem:$0x3FB0] =	sst s8  }
0x11: {  	[smem:$0x3FB1] =	sst s9;
	s0 =	simm.s32 @!p0 $0x0  }
0x12: {  	s1 =	sld [smem:$0x3F97];
	s0 =	simm.s32 @p0 $0x1  }
0x13: {  	[smem:$0x3FB2] =	sst s0;
	s0 =	simm.s32 @!p1 $0x0  }
0x14: {  	s2 =	sld [smem:$0x3F96];
	s0 =	simm.s32 @p1 $0x1  }
0x15: {  	[smem:$0x3FB3] =	sst s0;
	s0 =	simm.s32 @!p2 $0x0  }
0x16: {  	s3 =	sld [smem:$0x3FDB];
	s0 =	simm.s32 @p2 $0x1  }
0x17: {  	s4 =	simm.s32 $0x1BF5;
	[smem:$0x3FB5] =	sst s0  }
0x18: {  	s0 =	sld [smem:$0x3F98];
	_ =	swait.ge [sflag:s4], $0x0  }
0x19: {  	s7 =	sld [smem:$0x3F99]  }
0x1a: {  	s8 =	sadd.s32 $0xFFFFE003, lr  }
0x1b: {  	s9 =	sadd.s32 $0xFFFFFEF7, lr;
	s5 =	simm.s32 $0xFFFFFFFF;
	p2 =	slt.u32 s8, $0xFFFFF086  }
0x1c: {  	p1 =	slt.u32 s9, $0xF7A;
	s5 =	simm.s32 @!p2 $0x0  }
0x1d: {  	s5 =	simm.s32 @p1 $0x1;
	p0 =	seq.s32 s7, s2  }
0x1e: {  	s7 =	smul.u32 @!p0 $0xF7A, s2;
	p2 =	seq.s32 @!p0 s5, $0x0  }
0x1f: {  	s9 =	smul.u32 $0xF7A, s1;
	s8 =	simm.s32 @!p0 $0x1BF5;
	p2 =	por !p2, p0  }
0x20: {  	[sflag:s8] =	ssyncset.s32 @!p0 $0xFFFFF086;
	s6 =	sadd.s32 @!p0 s3, s7;
	s7 =	simm.s32 @!p0 $0x108  }
0x21: {  	s3 =	sadd.s32 s3, s9;
	s6 =	sadd.s32 @!p0 $0x88, s6;
	s7 =	simm.s32 @p2 $0x1082  }
0x22: {  	[simem:s7], [sflag:s8] =	dma.local @!p0 [hbm:s6], $0xF7A  }
0x23: {  	s9 =	sor.u32 $0xD0000000, s2;
	s6 =	simm.s32 $0x108;
	_ =	swait.ge @!p0 [sflag:s8], $0x0  }
0x24: {  	s3 =	sadd.s32 $0x88, s3;
	s6 =	simm.s32 @!p1 $0x1082;
	[sflag:s4] =	ssyncset.s32 $0xFFFFF086  }
0x25: {  	[simem:s6], [sflag:s4] =	dma.local [hbm:s3], $0xF7A  }
0x26: {  	[smem:$0x3F99] =	sst s1;
	(tag) =	ssettag s2;
	_ =	strace s9  }
0x27: {  	s1 =	sld [smem:$0x3FA9]  }
0x28: {  	s2 =	sld [smem:$0x3FAA]  }
0x29: {  	s4 =	sld [smem:$0x3FAC]  }
0x2a: {  	p0 =	seq.s32 s5, $0x0;
	s5 =	sld [smem:$0x3FAD]  }
0x2b: {  	s6 =	sld [smem:$0x3FAE]  }
0x2c: {  	s7 =	sld [smem:$0x3FAF]  }
0x2d: {  	s3 =	simm.s32 $0x108;
	s8 =	sld [smem:$0x3FB0]  }
0x2e: {  	s3 =	simm.s32 @!p0 $0x1082;
	s9 =	sld [smem:$0x3FB1]  }
0x2f: {  	lr =	sadd.s32 s0, s3;
	s0 =	sld [smem:$0x3FA8]  }
0x30: {  	s3 =	sld [smem:$0x3FAB]  }
0x31: {  	[smem:$0x3FB4] =	sst s10  }
0x32: {  	s10 =	sld [smem:$0x3FB2];
	_ =	sdelay $0x3  }
0x33: {  	p0 =	seq.s32 s10, $0x1;
	s10 =	sld [smem:$0x3FB4];
	_ =	sdelay $0x3  }
0x34: {  	[smem:$0x3FB4] =	sst s10  }
0x35: {  	s10 =	sld [smem:$0x3FB3];
	_ =	sdelay $0x3  }
0x36: {  	p1 =	seq.s32 s10, $0x1;
	s10 =	sld [smem:$0x3FB4];
	_ =	sdelay $0x3  }
0x37: {  	[smem:$0x3FB4] =	sst s10  }
0x38: {  	s10 =	sld [smem:$0x3FB5]  }
0x39: {  	_ = 	snop;
	(pc) =	sbr.ind lr, $3  }
0x3a: {  	_ = 	snop  }
0x3b: {  	_ = 	snop  }
0x3c: {  	p2 =	seq.s32 s10, $0x1;
	s10 =	sld [smem:$0x3FB4]  }
0x3d: {  	_ =	shalt  }
0x3e: {  	_ =	shalt  }
0x3f: {  	_ =	shalt  }
0x40: {  	_ =	shalt  }
0x41: {  	_ =	shalt  }
0x42: {  	_ =	shalt  }
0x43: {  	_ =	shalt  }
0x44: {  	_ =	shalt  }
0x45: {  	_ =	shalt  }
0x46: {  	_ =	shalt  }
0x47: {  	_ =	shalt  }
0x48: {  	_ =	shalt  }
0x49: {  	_ =	shalt  }
0x4a: {  	_ =	shalt  }
0x4b: {  	_ =	shalt  }
0x4c: {  	_ =	shalt  }
0x4d: {  	_ =	shalt  }
0x4e: {  	_ =	shalt  }
0x4f: {  	_ =	shalt  }
0x50: {  	_ =	shalt  }
0x51: {  	_ =	shalt  }
0x52: {  	_ =	shalt  }
0x53: {  	_ =	shalt  }
0x54: {  	_ =	shalt  }
0x55: {  	_ =	shalt  }
0x56: {  	_ =	shalt  }
0x57: {  	_ =	shalt  }
0x58: {  	_ =	shalt  }
0x59: {  	_ =	shalt  }
0x5a: {  	_ =	shalt  }
0x5b: {  	_ =	shalt  }
0x5c: {  	_ =	shalt  }
0x5d: {  	_ =	shalt  }
0x5e: {  	_ =	shalt  }
0x5f: {  	_ =	shalt  }
0x60: {  	_ =	shalt  }
0x61: {  	_ =	shalt  }
0x62: {  	_ =	shalt  }
0x63: {  	_ =	shalt  }
0x64: {  	_ =	shalt  }
0x65: {  	_ =	shalt  }
0x66: {  	_ =	shalt  }
0x67: {  	_ =	shalt  }
0x68: {  	_ =	shalt  }
0x69: {  	_ =	shalt  }
0x6a: {  	_ =	shalt  }
0x6b: {  	_ =	shalt  }
0x6c: {  	_ =	shalt  }
0x6d: {  	_ =	shalt  }
0x6e: {  	_ =	shalt  }
0x6f: {  	_ =	shalt  }
0x70: {  	_ =	shalt  }
0x71: {  	_ =	shalt  }
0x72: {  	_ =	shalt  }
0x73: {  	_ =	shalt  }
0x74: {  	_ =	shalt  }
0x75: {  	_ =	shalt  }
0x76: {  	_ =	shalt  }
0x77: {  	_ =	shalt  }
0x78: {  	_ =	shalt  }
0x79: {  	_ =	shalt  }
0x7a: {  	_ =	shalt  }
0x7b: {  	_ =	shalt  }
0x7c: {  	_ =	shalt  }
0x7d: {  	_ =	shalt  }
0x7e: {  	_ =	shalt  }
0x7f: {  	_ =	shalt  }
0x80: {  	_ =	shalt  }
0x81: {  	_ =	shalt  }
0x82: {  	_ =	shalt  }
0x83: {  	_ =	shalt  }
0x84: {  	_ =	shalt  }
0x85: {  	_ =	shalt  }
0x86: {  	_ =	shalt  }
0x87: {  	_ =	shalt  }
.Lfunc_end0:
.L_simem_size_0:
called_computation.3_lowered:
.L_overlay_start_0:
0x88: {  	s2 =	sld [smem:$0x3FD9]  }
0x89: {  	s3 =	sld [smem:$0x3FFE];
	_ =	sdelay $0x1  }
0x8a: {  	s1 =	srdreg.scid  }
0x8b: {  	s0 =	sand.u32 $0x1, s1  }
0x8c: {  	s17 =	sshll.u32 s0, $0xA;
	s2 =	sadd.s32 s3, s2  }
0x8d: {  	s2 =	sadd.s32 s2, s17  }
0x8e: {  	[smem:$0x3FC0] =	sst s2  }
0x8f: {  	_ = 	snop  }
0x90: {  	s2 =	sld [smem:$0x3FD0];
	(tm) =	ssettm $0x1  }
0x91: {  	s18 =	sld [smem:$0x3FFB];
	_ =	sdelay $0x3  }
0x92: {  	_ =	strace s18  }
0x93: {  	s3 =	sld [smem:$0x3FFC];
	_ =	sdelay $0x3  }
0x94: {  	_ =	strace s3  }
0x95: {  	s3 =	sld [smem:$0x3FFD];
	_ =	sdelay $0x3  }
0x96: {  	_ =	strace s3  }
0x97: {  	_ =	strace $0x8FFFFFFF  }
0x98: {  	s19 =	sld [smem:$0x3FDB];
	_ =	sdelay $0x1  }
0x99: {  	s4 =	simm.s32 $_scs_section_size  }
0x9a: {  	s5 =	simm.s32 $_size__tile_overlayer_lowered;
	s6 =	simm.s32 $_tile_overlayer_lowered  }
0x9b: {  	s22 =	simm.s32 $0x1BFF;
	s21 =	sshll.u32 s6, $0x1;
	s3 =	sadd.s32 s4, s19  }
0x9c: {  	s7 =	simm.s32 $0x0;
	s20 =	sshll.u32 s5, $0x1;
	s5 =	sadd.s32 s21, s3  }
0x9d: {  	[timem:s7], [sflag:s22] =	dma.local [hbm:s5], s20  }
0x9e: {  	_ =	swait.ge [sflag:s22], s20  }
0x9f: {  	s4 =	ssub.s32 $0x0, s20;
	[sflag:s22] =	ssyncset.done $0x0  }
0xa0: {  	[sflag:s22] =	ssyncadd.s32 s4;
	_ =	sdelay $0x1  }
0xa1: {  	s23 =	simm.s32 $0x1B8B  }
0xa2: {  	_ =	swait.ge [sflag:s23], $0x1  }
0xa3: {  	[sflag:s23] =	ssyncset.done $0x0  }
0xa4: {  	s25 =	simm.s32 $0x1B8E;
	s24 =	sld [smem:$0x3FFE];
	[sflag:s23] =	ssyncadd.s32 $0xFFFFFFFF  }
0xa5: {  	s26 =	simm.s32 $execute0_lowered;
	[smem:$0x3FD2] =	sst s25  }
0xa6: {  	s5 =	sshll.u32 s26, $0x1;
	_ =	strace $0x8000004F;
	[dreg:$0x1] =	wrdreg $0xFFFFFFFF  }
0xa7: {  	s28 =	simm.s32 $_size_execute0_lowered;
	s3 =	sadd.s32 s3, s5;
	[dreg:$0x0] =	wrdreg $0x0  }
0xa8: {  	s5 =	sshll.u32 s28, $0x1;
	[dreg:$0x2] =	wrdreg s3  }
0xa9: {  	[dreg:$0x3] =	wrdreg s5  }
0xaa: {  	[dreg:$0x4] =	wrdreg $0xC0  }
0xab: {  	_ =	task [dreg:s7], $0x5FFFF  }
0xac: {  	[dreg:$0x1] =	wrdreg $0xFFFFFFFF  }
0xad: {  	[dreg:$0x0] =	wrdreg $0x60  }
0xae: {  	[dreg:$0x2] =	wrdreg s24  }
0xaf: {  	[dreg:$0x3] =	wrdreg s2  }
0xb0: {  	[dreg:$0x4] =	wrdreg $0x76C00  }
0xb1: {  	[dreg:$0x5] =	wrdreg $0x9  }
0xb2: {  	_ =	task.clear_ibuf [dreg:s7], $0x6FFFF;
	_ =	strace $0x9000004F  }
0xb3: {  	s29 =	simm.s32 $0x9;
	_ =	strace $0x80000051  }
0xb4: {  	_ =	swait.ge [sflag:s29], $0x1  }
0xb5: {  	[sflag:s29] =	ssyncadd.s32 $0xFFFFFFFF  }
0xb6: {  	_ =	strace $0x90000051  }
0xb7: {  	_ =	sfence  }
0xb8: {  	s30 =	sld [smem:$0x0];
	_ =	sdelay $0x2  }
0xb9: {  	s31 =	sshll.u32 s1, $0xD;
	s1 =	sshrl.u32 s1, $0x2  }
0xba: {  	s3 =	sand.u32 $0x4000, s31;
	s1 =	sadd.s32 s1, s30  }
0xbb: {  	s0 =	sor.u32 s3, s0;
	s1 =	sshll.u32 s1, $0x11  }
0xbc: {  	s0 =	sor.u32 s1, s0  }
0xbd: {  	s0 =	sadd.s32 $0x8F2B, s0  }
0xbe: {  	[sflag:s0] =	ssyncadd.remote.s32 $0x1  }
0xbf: {  	_ =	sfence.sel $0xFFFF  }
0xc0: {  	[dreg:$0x0] =	wrdreg $0xFFFFFFFF;
	(pc) =	sbr.abs _section_cstart, $3  }
0xc1: {  	[dreg:$0x1] =	wrdreg $0xFFFFFFFF  }
0xc2: {  	_ =	task.clear_ibuf [dreg:s7], $0x2FFFF;
	_ =	strace $0x9FFFFFFF  }
0xc3: {  	(tm) =	ssettm $0x7FFFFFFF  }
tec
execute0_lowered:
.L_overlay_start_1:
0x0: {  	(tag) =	ssettag $0x1  }
0x1: {  	s5 =	rddreg [dreg:$0x0]  }
0x2: {  	s0 =	srdreg.scid;
	s6 =	rddreg [dreg:$0x1]  }
0x3: {  	s2 =	rddreg [dreg:$0x2];
	s1 =	stileid.u32  }
0x4: {  	s3 =	simm.s32 $0x0;
	s15 =	simm.s32 $0x6400;
	s16 =	simm.s32 $0x1  }
0x5: {  	s17 =	simm.s32 $0x2;
	s18 =	simm.s32 $0x2838;
	s19 =	simm.s32 $0x5070  }
0x6: {  	s20 =	simm.s32 $0x50D8;
	s7 =	sand.u32 $0x1, s0;
	s0 =	rddreg [dreg:$0x3]  }
0x7: {  	[smem:$0x7FF] =	sst s3;
	s9 =	smul.u32 $0x7530, s1;
	s31 =	sshll.u32 s1, $0x6  }
0x8: {  	s4 =	sshll.u32 s7, $0x4;
	_ =	strace $0x80000050;
	s10 =	smul.u32 $0xEA60, s7  }
0x9: {  	s7 =	ssub.s32 $0x2, s7;
	s4 =	sor.u32 s1, s4;
	s21 =	sshrl.u32 s9, $0x3  }
0xa: {  	s12 =	sshrl.u32 s7, $0x1;
	s14 =	sadd.s32 s9, s2;
	s9 =	simm.s32 $0x3  }
0xb: {  	s8 =	smul.u32 $0x514, s4;
	s4 =	sadd.s32 $0x3200, s5;
	s13 =	sadd.s32 s21, s5  }
0xc: {  	s10 =	sadd.s32 s10, s5;
	s12 =	ssub.s32 s7, s12;
	s14 =	sshrl.u32 s14, $0x3  }
0xd: {  	s7 =	sadd.s32 $0x1C600, s13;
	s22 =	sadd.s32 $0x2B200, s10;
	s10 =	simm.s32 $0x28A0  }
0xe: {  	s13 =	sor.u32 $0x1C03, s31;
	s11 =	sadd.s32 s8, s5;
	s6 =	sadd.s32 s6, s8  }
0xf: {  	s8 =	smax.u32 s12, $0x1;
	s12 =	simm.s32 $0x5140;
	s21 =	sadd.s32 s21, s22  }
0x10: {  	s22 =	simm.s32 $0x0;
	s5 =	sadd.s32 $0x12200, s11;
	s11 =	simm.s32 $0x64  }
.LBB2_1:
0x11: {  	[tilespmem:s3], [sflag:$0x3] =	stream.linear.gather [hbm4b:s5+s3], $0x28A0, $0x38;
	[tilespmem:$0xEBF0] =	vst v63  }
0x12: {  	_ =	swait.ge [sflag:s9], $0x28A0  }
0x13: {  	[sflag:s9] =	ssyncset.done $0x0  }
0x14: {  	[sflag:s9] =	ssyncadd.s32 $0xFFFFD760  }
0x15: {  	[tilespmem:s10], [sflag:$0x3] =	stream.linear.gather [hbm4b:s6+s3], $0x28A0, $0x38;
	[tilespmem:$0xEBF0] =	vst v63  }
0x16: {  	_ =	swait.ge [sflag:s9], $0x28A0  }
0x17: {  	[sflag:s9] =	ssyncset.done $0x0  }
0x18: {  	[sflag:s9] =	ssyncadd.s32 $0xFFFFD760  }
0x19: {  	[tilespmem:s12], [sflag:$0x1] =	stream.indirect.gather [hbm4b:s4+s11], $0x30, s3, s11, $0xb8;
	[tilespmem:$0xEBF0] =	vst v63  }
0x1a: {  	[spmem:s14], [sflag:s13] =	dma.local [hbm:s7], $0xEA6  }
0x1b: {  	_ =	swait.ge [sflag:s9], $0xEA6  }
0x1c: {  	[sflag:s9] =	ssyncset.done $0x0  }
0x1d: {  	[sflag:s9] =	ssyncadd.s32 $0xFFFFF15A  }
0x1e: {  	s23 =	simm.s32 $0x68;
	[bflag:$0x0] =	sbarrier.arrive $0xFFFF  }
0x1f: {  	[tilespmem:s15], [sflag:$0x2] =	stream.indirect.gather [hbm4b:s4+s11], $0x30, s23, s11, $0xb8;
	[tilespmem:$0xEBF0] =	vst v63  }
0x20: {  	_ =	swait.ge [sflag:s16], $0x12C0  }
0x21: {  	[sflag:s16] =	ssyncset.done $0x0  }
0x22: {  	s29 =	simm.s32 $0x28A0;
	[sflag:s16] =	ssyncadd.s32 $0xFFFFED40  }
0x23: {  	[spmem:s2] =	stream.indirect.scatter.add.f32 [tilespmem:s12], [sflag:$0x3], $0x30, s29, s11, $0xb8;
	[tilespmem:$0xEBF0] =	vst v63  }
0x24: {  	_ =	swait.ge [sflag:s9], $0x12C0  }
0x25: {  	[sflag:s9] =	ssyncset.done $0x0  }
0x26: {  	s30 =	simm.s32 $0xD0;
	[sflag:s9] =	ssyncadd.s32 $0xFFFFED40  }
0x27: {  	[tilespmem:s12], [sflag:$0x1] =	stream.indirect.gather [hbm4b:s4+s11], $0x30, s30, s11, $0xb8;
	[tilespmem:$0xEBF0] =	vst v63  }
0x28: {  	_ =	swait.ge [sflag:s17], $0x12C0  }
0x29: {  	[sflag:s17] =	ssyncset.done $0x0  }
0x2a: {  	s31 =	simm.s32 $0x2908;
	[sflag:s17] =	ssyncadd.s32 $0xFFFFED40  }
0x2b: {  	[spmem:s2] =	stream.indirect.scatter.add.f32 [tilespmem:s15], [sflag:$0x3], $0x30, s31, s11, $0xb8;
	[tilespmem:$0xEBF0] =	vst v63  }
0x2c: {  	_ =	swait.ge [sflag:s9], $0x12C0  }
0x2d: {  	s24 =	simm.s32 $0x680;
	s23 =	simm.s32 $0xD0;
	[sflag:s9] =	ssyncset.done $0x0  }
.LBB2_2:
0x2e: {  	s25 =	sadd.s32 $0x68, s23  }
0x2f: {  	[sflag:s9] =	ssyncadd.s32 $0xFFFFED40;
	s26 =	smov.u32 s24;
	s28 =	sadd.s32 $0x340, s24  }
0x30: {  	[tilespmem:s15], [sflag:$0x2] =	stream.indirect.gather [hbm4b:s4+s11], $0x30, s25, s11, $0xb8;
	[tilespmem:$0xEBF0] =	vst v63  }
0x31: {  	p0 =	sne.s32 s24, $0x9C00;
	_ =	swait.ge [sflag:s16], $0x12C0  }
0x32: {  	[sflag:s16] =	ssyncset.done $0x0  }
0x33: {  	s24 =	sadd.s32 $0x28A0, s23;
	[sflag:s16] =	ssyncadd.s32 $0xFFFFED40  }
0x34: {  	[spmem:s2] =	stream.indirect.scatter.add.f32 [tilespmem:s12], [sflag:$0x3], $0x30, s24, s11, $0xb8;
	[tilespmem:$0xEBF0] =	vst v63  }
0x35: {  	_ =	swait.ge [sflag:s9], $0x12C0  }
0x36: {  	[sflag:s9] =	ssyncset.done $0x0  }
0x37: {  	s24 =	sadd.s32 $0xD0, s23;
	[sflag:s9] =	ssyncadd.s32 $0xFFFFED40  }
0x38: {  	[tilespmem:s12], [sflag:$0x1] =	stream.indirect.gather [hbm4b:s4+s11], $0x30, s24, s11, $0xb8;
	[tilespmem:$0xEBF0] =	vst v63  }
0x39: {  	_ =	swait.ge [sflag:s17], $0x12C0  }
.Ltmp0:
0x3a: {  	[sflag:s17] =	ssyncset.done $0x0;
	(pc) =	sbr.rel @p0 .LBB2_2-.Ltmp0, $4  }
0x3b: {  	s23 =	sadd.s32 $0x2908, s23;
	[sflag:s17] =	ssyncadd.s32 $0xFFFFED40  }
0x3c: {  	[spmem:s2] =	stream.indirect.scatter.add.f32 [tilespmem:s15], [sflag:$0x3], $0x30, s23, s11, $0xb8;
	[tilespmem:$0xEBF0] =	vst v63  }
0x3d: {  	_ =	swait.ge [sflag:s9], $0x12C0  }
0x3e: {  	s24 =	smov.u32 s28;
	s23 =	sshra.s32 s26, $0x2;
	[sflag:s9] =	ssyncset.done $0x0  }
0x3f: {  	s24 =	sadd.s32 $0x68, s23;
	[sflag:s9] =	ssyncadd.s32 $0xFFFFED40  }
0x40: {  	[tilespmem:s15], [sflag:$0x2] =	stream.indirect.gather [hbm4b:s4+s11], $0x30, s24, s11, $0xb8;
	[tilespmem:$0xEBF0] =	vst v63  }
0x41: {  	_ =	swait.ge [sflag:s16], $0x12C0  }
0x42: {  	[sflag:s16] =	ssyncset.done $0x0  }
0x43: {  	s29 =	sadd.s32 $0x28A0, s23;
	[sflag:s16] =	ssyncadd.s32 $0xFFFFED40  }
0x44: {  	[spmem:s2] =	stream.indirect.scatter.add.f32 [tilespmem:s12], [sflag:$0x3], $0x30, s29, s11, $0xb8;
	[tilespmem:$0xEBF0] =	vst v63  }
0x45: {  	_ =	swait.ge [sflag:s9], $0x12C0  }
0x46: {  	[sflag:s9] =	ssyncset.done $0x0  }
0x47: {  	s30 =	sadd.s32 $0xD0, s23;
	[sflag:s9] =	ssyncadd.s32 $0xFFFFED40  }
0x48: {  	[tilespmem:s12], [sflag:$0x1] =	stream.indirect.gather [hbm4b:s4+s11], $0x30, s30, s11, $0xb8;
	[tilespmem:$0xEBF0] =	vst v63  }
0x49: {  	_ =	swait.ge [sflag:s17], $0x12C0  }
0x4a: {  	[sflag:s17] =	ssyncset.done $0x0  }
0x4b: {  	s31 =	sadd.s32 $0x2908, s23;
	[sflag:s17] =	ssyncadd.s32 $0xFFFFED40  }
0x4c: {  	[spmem:s2] =	stream.indirect.scatter.add.f32 [tilespmem:s15], [sflag:$0x3], $0x30, s31, s11, $0xb8;
	[tilespmem:$0xEBF0] =	vst v63  }
0x4d: {  	_ =	swait.ge [sflag:s9], $0x12C0  }
0x4e: {  	[sflag:s9] =	ssyncset.done $0x0  }
0x4f: {  	[sflag:s9] =	ssyncadd.s32 $0xFFFFED40  }
0x50: {  	[tilespmem:s15], [sflag:$0x2] =	stream.indirect.gather [hbm4b:s4+s11], $0x30, s18, s11, $0xb8;
	[tilespmem:$0xEBF0] =	vst v63  }
0x51: {  	_ =	swait.ge [sflag:s16], $0x12C0  }
0x52: {  	[sflag:s16] =	ssyncset.done $0x0  }
0x53: {  	[sflag:s16] =	ssyncadd.s32 $0xFFFFED40  }
0x54: {  	[spmem:s2] =	stream.indirect.scatter.add.f32 [tilespmem:s12], [sflag:$0x3], $0x30, s19, s11, $0xb8;
	[tilespmem:$0xEBF0] =	vst v63  }
0x55: {  	_ =	swait.ge [sflag:s9], $0x12C0  }
0x56: {  	[sflag:s9] =	ssyncset.done $0x0  }
0x57: {  	[sflag:s9] =	ssyncadd.s32 $0xFFFFED40  }
0x58: {  	_ =	swait.ge [sflag:s17], $0x12C0  }
0x59: {  	[sflag:s17] =	ssyncset.done $0x0  }
0x5a: {  	[sflag:s17] =	ssyncadd.s32 $0xFFFFED40  }
0x5b: {  	[spmem:s2] =	stream.indirect.scatter.add.f32 [tilespmem:s15], [sflag:$0x3], $0x30, s20, s11, $0xb8;
	[tilespmem:$0xEBF0] =	vst v63  }
0x5c: {  	_ =	swait.ge [sflag:s9], $0x12C0  }
0x5d: {  	s22 =	sadd.s32 $0x1, s22;
	[sflag:s9] =	ssyncset.done $0x0  }
0x5e: {  	p0 =	sne.s32 s22, s8;
	[sflag:s9] =	ssyncadd.s32 $0xFFFFED40  }
.Ltmp1:
0x5f: {  	[bflag:$0x0] =	sbarrier.arrive $0xFFFF;
	(pc) =	sbr.rel @p0 .LBB2_1-.Ltmp1, $4  }
0x60: {  	[hbm:s21], [sflag:s13] =	dma.local [spmem:s14], $0xEA6  }
0x61: {  	_ =	swait.ge [sflag:s9], $0xEA6  }
0x62: {  	[sflag:s9] =	ssyncset.done $0x0  }
0x63: {  	[sflag:s9] =	ssyncadd.s32 $0xFFFFF15A  }
0x64: {  	_ =	sfence.sel $0x180000  }
0x65: {  	[bflag:$0x0] =	sbarrier.arrive $0xFFFF  }
0x66: {  	p0 =	sne.s32 s1, $0x0;
	_ =	strace $0x90000050  }
0x67: {  	s0 =	sadd.s32 @!p0 $0x100000, s0;
	[bflag:$0x2] =	sbarrier.arrive $0xFFFF  }
0x68: {  	[sflag:s0] =	ssyncadd.tile.s32 @!p0 $0x1;
	_ =	shalt  }
.Lfunc_end2:
_tile_overlayer_lowered:
.L_overlay_start_2:
0x69: {  	(tag) =	ssettag $0x2  }
0x6a: {  	s0 =	rddreg [dreg:$0x0];
	s2 =	stileid.u32  }
0x6b: {  	s1 =	rddreg [dreg:$0x1];
	p0 =	sne.s32 s2, $0x0  }
0x6c: {  	s3 =	rddreg [dreg:$0x2];
	[bflag:$0x3] =	sbarrier.arrive $0xFFFF;
	s2 =	simm.s32 @!p0 $0x1C03  }
0x6d: {  	[timem:s3], [sflag:s2] =	dma.local @!p0 [hbm:s0], s1  }
0x6e: {  	s0 =	simm.s32 @!p0 $0x3  }
0x6f: {  	_ =	swait.ge @!p0 [sflag:s0], s1  }
0x70: {  	s1 =	ssub.s32 @!p0 $0x0, s1;
	[sflag:s0] =	ssyncset.done @!p0 $0x0  }
0x71: {  	[sflag:s0] =	ssyncadd.s32 @!p0 s1  }
0x72: {  	[bflag:$0x3] =	sbarrier.arrive $0xFFFF  }
0x73: {  	_ =	shalt  }

</sc_bundles>
